<compile_context>
chip_gen: v7x
topology: tpu7x:2x2x1
jax: 0.10.2.dev20260603
libtpu: 0.0.44.dev20260713+nightly
codegen_flags: <defaults>
</compile_context>

<pallas_src>
import jax
import jax.numpy as jnp
from jax import lax
from jax.experimental import pallas as pl
from jax.experimental.pallas import tpu as pltpu
from jax.experimental.pallas import tpu_sc as plsc

E = 320000
D = 128
D2 = D // 2
NC, NS = 2, 16
NW = NC * NS
E_PER_W = E // NW
CH = 400
N_CHUNKS = E_PER_W // CH
EU = 8
N_PAIRS = N_CHUNKS // 2
N_SIG = E_PER_W // 16


def _sc_body(z2_hbm, src_hbm, dst_hbm, out_hbm,
             out_v, si0, di0, si1, di1, srows0, drows0, srows1, drows1,
             isem0, isem1, rsem0, rsem1):
    wid = lax.axis_index("s") * NC + lax.axis_index("c")
    base_w = wid * E_PER_W

    lane = lax.broadcasted_iota(jnp.int32, (16,), 0)
    m15 = lane == 15

    def idx_fetch(i, si, di, isem):
        sl = pl.ds(base_w + i * CH, CH)
        pltpu.async_copy(src_hbm.at[sl], si, isem)
        pltpu.async_copy(dst_hbm.at[sl], di, isem)

    def idx_drain(i, si, di, isem):
        sl = pl.ds(base_w + i * CH, CH)
        pltpu.make_async_copy(src_hbm.at[sl], si, isem).wait()
        pltpu.make_async_copy(dst_hbm.at[sl], di, isem).wait()

    def row_fetch(si, di, srows, drows, rsem):
        pltpu.async_copy(z2_hbm.at[si], srows, rsem)
        pltpu.async_copy(z2_hbm.at[di], drows, rsem)

    def row_drain(si, di, srows, drows, rsem):
        pltpu.make_async_copy(z2_hbm.at[si], srows, rsem).wait()
        pltpu.make_async_copy(z2_hbm.at[di], drows, rsem).wait()

    def compute(i, srows, drows):
        @plsc.parallel_loop(0, CH, step=1, unroll=EU)
        def edge_body(e):
            f32s = []
            for c in range(D2 // 16):
                s = srows[e, pl.ds(c * 16, 16)]
                d = drows[e, pl.ds(c * 16, 16)]
                p = plsc.bitcast(s, jnp.bfloat16) * plsc.bitcast(d, jnp.bfloat16)
                plo, phi = plsc.unpack(p, format=plsc.PackFormat.INTERLEAVED)
                f32s.append(plo)
                f32s.append(phi)
            acc = ((f32s[0] + f32s[1]) + (f32s[2] + f32s[3])) + \
                  ((f32s[4] + f32s[5]) + (f32s[6] + f32s[7]))
            tot = plsc.cumsum(acc)
            plsc.store_scatter(
                out_v, [jnp.zeros((16,), jnp.int32) + (i * CH + e)],
                tot, mask=m15)

    idx_fetch(0, si0, di0, isem0)
    idx_fetch(1, si1, di1, isem1)
    idx_drain(0, si0, di0, isem0)
    row_fetch(si0, di0, srows0, drows0, rsem0)

    def pair_body(j, _):
        i0 = 2 * j
        i1 = 2 * j + 1

        @pl.when(i1 < N_CHUNKS)
        def _():
            idx_drain(i1, si1, di1, isem1)
            row_fetch(si1, di1, srows1, drows1, rsem1)

        row_drain(si0, di0, srows0, drows0, rsem0)

        @pl.when(i0 + 2 < N_CHUNKS)
        def _():
            idx_fetch(i0 + 2, si0, di0, isem0)

        compute(i0, srows0, drows0)

        @pl.when(i0 + 2 < N_CHUNKS)
        def _():
            idx_drain(i0 + 2, si0, di0, isem0)
            row_fetch(si0, di0, srows0, drows0, rsem0)

        @pl.when(i1 < N_CHUNKS)
        def _():
            row_drain(si1, di1, srows1, drows1, rsem1)

            @pl.when(i1 + 2 < N_CHUNKS)
            def _():
                idx_fetch(i1 + 2, si1, di1, isem1)

            compute(i1, srows1, drows1)

        return 0

    lax.fori_loop(0, (N_CHUNKS + 1) // 2, pair_body, 0)

    def sig_body(g, _):
        sl = pl.ds(g * 16, 16)
        v = out_v[sl]
        out_v[sl] = 1.0 / (1.0 + jnp.exp(-v))
        return 0

    lax.fori_loop(0, N_SIG, sig_body, 0)
    pltpu.sync_copy(out_v, out_hbm.at[pl.ds(base_w, E_PER_W)])


@jax.jit
def _decode(z, src, dst):
    zb = z.astype(jnp.bfloat16)
    z2 = jax.lax.bitcast_convert_type(
        zb.reshape(z.shape[0], D2, 2), jnp.int32)
    mesh = plsc.VectorSubcoreMesh(core_axis_name="c", subcore_axis_name="s")
    fn = pl.kernel(
        _sc_body,
        out_type=jax.ShapeDtypeStruct((E,), jnp.float32),
        mesh=mesh,
        scratch_types=[
            pltpu.VMEM((E_PER_W,), jnp.float32),
            pltpu.VMEM((CH,), jnp.int32),
            pltpu.VMEM((CH,), jnp.int32),
            pltpu.VMEM((CH,), jnp.int32),
            pltpu.VMEM((CH,), jnp.int32),
            pltpu.VMEM((CH, D2), jnp.int32),
            pltpu.VMEM((CH, D2), jnp.int32),
            pltpu.VMEM((CH, D2), jnp.int32),
            pltpu.VMEM((CH, D2), jnp.int32),
            pltpu.SemaphoreType.DMA,
            pltpu.SemaphoreType.DMA,
            pltpu.SemaphoreType.DMA,
            pltpu.SemaphoreType.DMA,
        ],
        compiler_params=pltpu.CompilerParams(
            needs_layout_passes=False,
            use_tc_tiling_on_sc=False,
        ),
    )
    return fn(z2, src, dst)


def kernel(z, edge_index):
    return _decode(z, edge_index[0], edge_index[1])

# --- scband reference (transcript-rebuilt; emitter-appended) ---
"""Pipeline reference for scband-inner-product-decoder-68238440399296 (READ-ONLY COPY).

The authoritative reference and input builder live on the scoring server;
editing this copy changes nothing except your own understanding.
"""

import jax, jax.numpy as jnp
import numpy as np


def setup_inputs(seed: int = 0) -> dict:
    key = jax.random.key(seed)
    k1, k2 = jax.random.split(key)
    z = jax.random.normal(k1, (10000, 128), dtype=jnp.float32)
    edge_index = jax.random.randint(k2, (2, 320000), 0, 10000, dtype=jnp.int32)
    return {"z": z, "edge_index": edge_index}


def reference(z, edge_index):
    # InnerProductDecoder.forward with sigmoid=True (default)
    src = jnp.take(z, edge_index[0], axis=0)
    dst = jnp.take(z, edge_index[1], axis=0)
    value = (src * dst).sum(axis=1)
    return jax.nn.sigmoid(value)

if __name__ == "__main__":
    import jax
    _d = setup_inputs()
    print(jax.jit(kernel)(*tuple(_d.values())))

</pallas_src>

<mosaic_0001>
#map = affine_map<(d0, d1) -> (0, 0)>
#map1 = affine_map<(d0, d1) -> (0)>
module attributes {stable_mosaic.version = 14 : i64} {
  func.func @_sc_body(%arg0: i32, %arg1: i32, %arg2: memref<10000x64xi32, #tpu.memory_space<hbm>>, %arg3: memref<320000xi32, #tpu.memory_space<hbm>>, %arg4: memref<320000xi32, #tpu.memory_space<hbm>>, %arg5: memref<320000xf32, #tpu.memory_space<hbm>>, %arg6: memref<10000xf32, #tpu.memory_space<vmem>>, %arg7: memref<400xi32, #tpu.memory_space<vmem>>, %arg8: memref<400xi32, #tpu.memory_space<vmem>>, %arg9: memref<400xi32, #tpu.memory_space<vmem>>, %arg10: memref<400xi32, #tpu.memory_space<vmem>>, %arg11: memref<400x64xi32, #tpu.memory_space<vmem>>, %arg12: memref<400x64xi32, #tpu.memory_space<vmem>>, %arg13: memref<400x64xi32, #tpu.memory_space<vmem>>, %arg14: memref<400x64xi32, #tpu.memory_space<vmem>>, %arg15: memref<!tpu.dma_semaphore, #tpu.memory_space<semaphore_mem>>, %arg16: memref<!tpu.dma_semaphore, #tpu.memory_space<semaphore_mem>>, %arg17: memref<!tpu.dma_semaphore, #tpu.memory_space<semaphore_mem>>, %arg18: memref<!tpu.dma_semaphore, #tpu.memory_space<semaphore_mem>>) attributes {dimension_semantics = [#tpu.dimension_semantics<core_parallel>, #tpu.dimension_semantics<subcore_parallel>], iteration_bounds = array<i64: 2, 16>, scalar_prefetch = 0 : i64, scratch_operands = 13 : i64, tpu.core_type = #tpu.core_type<sc_vector_subcore>, window_params = [{transform_indices = #map}, {transform_indices = #map1}, {transform_indices = #map1}, {transform_indices = #map1}]} {
    %mul3A = arith.constant 2 : i32
    %mul3A_0 = arith.muli %arg1, %mul3A : i32
    %add3A = arith.addi %mul3A_0, %arg0 : i32
    %mul3A_1 = arith.constant 10000 : i32
    %mul3A_2 = arith.muli %add3A, %mul3A_1 : i32
    %iota3A = tpu.iota {dimensions = array<i32: 0>} : vector<16xi32>
    %eq3A = arith.constant 15 : i32
    %eq3A_3 = vector.broadcast %eq3A : i32 to vector<16xi32>
    %eq3A_4 = arith.cmpi eq, %iota3A, %eq3A_3 : vector<16xi32>
    %add3A_5 = arith.constant 0 : i32
    %add3A_6 = arith.addi %mul3A_2, %add3A_5 : i32
    %dma_start3A = tpu.memref_slice %arg3[%add3A_6] : memref<320000xi32, #tpu.memory_space<hbm>> -> memref<400xi32, #tpu.memory_space<hbm>>
    %dma_start3A_7 = tpu.memref_slice %arg3[%add3A_6] : memref<320000xi32, #tpu.memory_space<hbm>> -> memref<400xi32, #tpu.memory_space<hbm>>
    tpu.enqueue_dma source(%dma_start3A_7 : memref<400xi32, #tpu.memory_space<hbm>>) target(%arg7 : memref<400xi32, #tpu.memory_space<vmem>>) target_semaphore(%arg15 : memref<!tpu.dma_semaphore, #tpu.memory_space<semaphore_mem>>)
    %dma_start3A_8 = tpu.memref_slice %arg4[%add3A_6] : memref<320000xi32, #tpu.memory_space<hbm>> -> memref<400xi32, #tpu.memory_space<hbm>>
    %dma_start3A_9 = tpu.memref_slice %arg4[%add3A_6] : memref<320000xi32, #tpu.memory_space<hbm>> -> memref<400xi32, #tpu.memory_space<hbm>>
    tpu.enqueue_dma source(%dma_start3A_9 : memref<400xi32, #tpu.memory_space<hbm>>) target(%arg8 : memref<400xi32, #tpu.memory_space<vmem>>) target_semaphore(%arg15 : memref<!tpu.dma_semaphore, #tpu.memory_space<semaphore_mem>>)
    %add3A_10 = arith.constant 400 : i32
    %add3A_11 = arith.addi %mul3A_2, %add3A_10 : i32
    %dma_start3A_12 = tpu.memref_slice %arg3[%add3A_11] : memref<320000xi32, #tpu.memory_space<hbm>> -> memref<400xi32, #tpu.memory_space<hbm>>
    %dma_start3A_13 = tpu.memref_slice %arg3[%add3A_11] : memref<320000xi32, #tpu.memory_space<hbm>> -> memref<400xi32, #tpu.memory_space<hbm>>
    tpu.enqueue_dma source(%dma_start3A_13 : memref<400xi32, #tpu.memory_space<hbm>>) target(%arg9 : memref<400xi32, #tpu.memory_space<vmem>>) target_semaphore(%arg16 : memref<!tpu.dma_semaphore, #tpu.memory_space<semaphore_mem>>)
    %dma_start3A_14 = tpu.memref_slice %arg4[%add3A_11] : memref<320000xi32, #tpu.memory_space<hbm>> -> memref<400xi32, #tpu.memory_space<hbm>>
    %dma_start3A_15 = tpu.memref_slice %arg4[%add3A_11] : memref<320000xi32, #tpu.memory_space<hbm>> -> memref<400xi32, #tpu.memory_space<hbm>>
    tpu.enqueue_dma source(%dma_start3A_15 : memref<400xi32, #tpu.memory_space<hbm>>) target(%arg10 : memref<400xi32, #tpu.memory_space<vmem>>) target_semaphore(%arg16 : memref<!tpu.dma_semaphore, #tpu.memory_space<semaphore_mem>>)
    %add3A_16 = arith.constant 0 : i32
    %add3A_17 = arith.addi %mul3A_2, %add3A_16 : i32
    %dma_wait3A = tpu.memref_slice %arg3[%add3A_17] : memref<320000xi32, #tpu.memory_space<hbm>> -> memref<400xi32, #tpu.memory_space<hbm>>
    %dma_wait3A_18 = tpu.memref_slice %arg3[%add3A_17] : memref<320000xi32, #tpu.memory_space<hbm>> -> memref<400xi32, #tpu.memory_space<hbm>>
    tpu.wait_dma2 semaphore(%arg15 : memref<!tpu.dma_semaphore, #tpu.memory_space<semaphore_mem>>) src(%dma_wait3A_18 : memref<400xi32, #tpu.memory_space<hbm>>) dst(%arg7 : memref<400xi32, #tpu.memory_space<vmem>>)
    %dma_wait3A_19 = tpu.memref_slice %arg4[%add3A_17] : memref<320000xi32, #tpu.memory_space<hbm>> -> memref<400xi32, #tpu.memory_space<hbm>>
    %dma_wait3A_20 = tpu.memref_slice %arg4[%add3A_17] : memref<320000xi32, #tpu.memory_space<hbm>> -> memref<400xi32, #tpu.memory_space<hbm>>
    tpu.wait_dma2 semaphore(%arg15 : memref<!tpu.dma_semaphore, #tpu.memory_space<semaphore_mem>>) src(%dma_wait3A_20 : memref<400xi32, #tpu.memory_space<hbm>>) dst(%arg8 : memref<400xi32, #tpu.memory_space<vmem>>)
    %dma_start3A_21 = arith.constant 0 : i32
    %dma_start3A_22 = arith.constant 0 : i32
    %dma_start3A_23 = tpu.memref_slice %arg2[%dma_start3A_21, %dma_start3A_22] : memref<10000x64xi32, #tpu.memory_space<hbm>> -> memref<10000x64xi32, #tpu.memory_space<hbm>>
    tpu.enqueue_indirect_dma source(%dma_start3A_23 : memref<10000x64xi32, #tpu.memory_space<hbm>>) target(%arg11 : memref<400x64xi32, #tpu.memory_space<vmem>>) offsets(%arg7 : memref<400xi32, #tpu.memory_space<vmem>>) semaphore(%arg17 : memref<!tpu.dma_semaphore, #tpu.memory_space<semaphore_mem>>)
    %dma_start3A_24 = arith.constant 0 : i32
    %dma_start3A_25 = arith.constant 0 : i32
    %dma_start3A_26 = tpu.memref_slice %arg2[%dma_start3A_24, %dma_start3A_25] : memref<10000x64xi32, #tpu.memory_space<hbm>> -> memref<10000x64xi32, #tpu.memory_space<hbm>>
    tpu.enqueue_indirect_dma source(%dma_start3A_26 : memref<10000x64xi32, #tpu.memory_space<hbm>>) target(%arg12 : memref<400x64xi32, #tpu.memory_space<vmem>>) offsets(%arg8 : memref<400xi32, #tpu.memory_space<vmem>>) semaphore(%arg17 : memref<!tpu.dma_semaphore, #tpu.memory_space<semaphore_mem>>)
    %scan3A = arith.constant 0 : i32
    %scan3A_27 = arith.constant 0 : i32
    %scan3A_28 = arith.constant 13 : i32
    %scan3A_29 = arith.addi %scan3A_27, %scan3A_28 : i32
    %scan3A_30 = arith.constant 1 : i32
    %scan3A_31 = scf.for %scan3A_40 = %scan3A_27 to %scan3A_29 step %scan3A_30 iter_args(%scan3A_41 = %scan3A) -> (i32)  : i32 {
      %mul3A_42 = arith.constant 2 : i32
      %mul3A_43 = arith.muli %mul3A_42, %scan3A_40 : i32
      %mul3A_44 = arith.constant 2 : i32
      %mul3A_45 = arith.muli %mul3A_44, %scan3A_40 : i32
      %add3A_46 = arith.constant 1 : i32
      %add3A_47 = arith.addi %mul3A_45, %add3A_46 : i32
      %lt3A = arith.constant 25 : i32
      %lt3A_48 = arith.cmpi slt, %add3A_47, %lt3A : i32
      %convert_element_type3A = arith.extui %lt3A_48 : i1 to i32
      %cond3A = arith.constant 0 : i32
      %cond3A_49 = arith.cmpi ne, %convert_element_type3A, %cond3A : i32
      scf.if %cond3A_49 {
        %mul3A_78 = arith.constant 400 : i32
        %mul3A_79 = arith.muli %add3A_47, %mul3A_78 : i32
        %add3A_80 = arith.addi %mul3A_2, %mul3A_79 : i32
        %dma_wait3A_81 = tpu.memref_slice %arg3[%add3A_80] : memref<320000xi32, #tpu.memory_space<hbm>> -> memref<400xi32, #tpu.memory_space<hbm>>
        %dma_wait3A_82 = tpu.memref_slice %arg3[%add3A_80] : memref<320000xi32, #tpu.memory_space<hbm>> -> memref<400xi32, #tpu.memory_space<hbm>>
        tpu.wait_dma2 semaphore(%arg16 : memref<!tpu.dma_semaphore, #tpu.memory_space<semaphore_mem>>) src(%dma_wait3A_82 : memref<400xi32, #tpu.memory_space<hbm>>) dst(%arg9 : memref<400xi32, #tpu.memory_space<vmem>>)
        %dma_wait3A_83 = tpu.memref_slice %arg4[%add3A_80] : memref<320000xi32, #tpu.memory_space<hbm>> -> memref<400xi32, #tpu.memory_space<hbm>>
        %dma_wait3A_84 = tpu.memref_slice %arg4[%add3A_80] : memref<320000xi32, #tpu.memory_space<hbm>> -> memref<400xi32, #tpu.memory_space<hbm>>
        tpu.wait_dma2 semaphore(%arg16 : memref<!tpu.dma_semaphore, #tpu.memory_space<semaphore_mem>>) src(%dma_wait3A_84 : memref<400xi32, #tpu.memory_space<hbm>>) dst(%arg10 : memref<400xi32, #tpu.memory_space<vmem>>)
        %dma_start3A_85 = arith.constant 0 : i32
        %dma_start3A_86 = arith.constant 0 : i32
        %dma_start3A_87 = tpu.memref_slice %arg2[%dma_start3A_85, %dma_start3A_86] : memref<10000x64xi32, #tpu.memory_space<hbm>> -> memref<10000x64xi32, #tpu.memory_space<hbm>>
        tpu.enqueue_indirect_dma source(%dma_start3A_87 : memref<10000x64xi32, #tpu.memory_space<hbm>>) target(%arg13 : memref<400x64xi32, #tpu.memory_space<vmem>>) offsets(%arg9 : memref<400xi32, #tpu.memory_space<vmem>>) semaphore(%arg18 : memref<!tpu.dma_semaphore, #tpu.memory_space<semaphore_mem>>)
        %dma_start3A_88 = arith.constant 0 : i32
        %dma_start3A_89 = arith.constant 0 : i32
        %dma_start3A_90 = tpu.memref_slice %arg2[%dma_start3A_88, %dma_start3A_89] : memref<10000x64xi32, #tpu.memory_space<hbm>> -> memref<10000x64xi32, #tpu.memory_space<hbm>>
        tpu.enqueue_indirect_dma source(%dma_start3A_90 : memref<10000x64xi32, #tpu.memory_space<hbm>>) target(%arg14 : memref<400x64xi32, #tpu.memory_space<vmem>>) offsets(%arg10 : memref<400xi32, #tpu.memory_space<vmem>>) semaphore(%arg18 : memref<!tpu.dma_semaphore, #tpu.memory_space<semaphore_mem>>)
      } else {
      }
      %dma_wait3A_50 = arith.constant 0 : i32
      %dma_wait3A_51 = arith.constant 0 : i32
      %dma_wait3A_52 = tpu.memref_slice %arg2[%dma_wait3A_50, %dma_wait3A_51] : memref<10000x64xi32, #tpu.memory_space<hbm>> -> memref<10000x64xi32, #tpu.memory_space<hbm>>
      tpu.wait_indirect_dma semaphore(%arg17 : memref<!tpu.dma_semaphore, #tpu.memory_space<semaphore_mem>>) src(%dma_wait3A_52 : memref<10000x64xi32, #tpu.memory_space<hbm>>) dst(%arg11 : memref<400x64xi32, #tpu.memory_space<vmem>>)
      %dma_wait3A_53 = arith.constant 0 : i32
      %dma_wait3A_54 = arith.constant 0 : i32
      %dma_wait3A_55 = tpu.memref_slice %arg2[%dma_wait3A_53, %dma_wait3A_54] : memref<10000x64xi32, #tpu.memory_space<hbm>> -> memref<10000x64xi32, #tpu.memory_space<hbm>>
      tpu.wait_indirect_dma semaphore(%arg17 : memref<!tpu.dma_semaphore, #tpu.memory_space<semaphore_mem>>) src(%dma_wait3A_55 : memref<10000x64xi32, #tpu.memory_space<hbm>>) dst(%arg12 : memref<400x64xi32, #tpu.memory_space<vmem>>)
      %add3A_56 = arith.constant 2 : i32
      %add3A_57 = arith.addi %mul3A_43, %add3A_56 : i32
      %lt3A_58 = arith.constant 25 : i32
      %lt3A_59 = arith.cmpi slt, %add3A_57, %lt3A_58 : i32
      %convert_element_type3A_60 = arith.extui %lt3A_59 : i1 to i32
      %cond3A_61 = arith.constant 0 : i32
      %cond3A_62 = arith.cmpi ne, %convert_element_type3A_60, %cond3A_61 : i32
      scf.if %cond3A_62 {
        %add3A_78 = arith.constant 2 : i32
        %add3A_79 = arith.addi %mul3A_43, %add3A_78 : i32
        %mul3A_80 = arith.constant 400 : i32
        %mul3A_81 = arith.muli %add3A_79, %mul3A_80 : i32
        %add3A_82 = arith.addi %mul3A_2, %mul3A_81 : i32
        %dma_start3A_83 = tpu.memref_slice %arg3[%add3A_82] : memref<320000xi32, #tpu.memory_space<hbm>> -> memref<400xi32, #tpu.memory_space<hbm>>
        %dma_start3A_84 = tpu.memref_slice %arg3[%add3A_82] : memref<320000xi32, #tpu.memory_space<hbm>> -> memref<400xi32, #tpu.memory_space<hbm>>
        tpu.enqueue_dma source(%dma_start3A_84 : memref<400xi32, #tpu.memory_space<hbm>>) target(%arg7 : memref<400xi32, #tpu.memory_space<vmem>>) target_semaphore(%arg15 : memref<!tpu.dma_semaphore, #tpu.memory_space<semaphore_mem>>)
        %dma_start3A_85 = tpu.memref_slice %arg4[%add3A_82] : memref<320000xi32, #tpu.memory_space<hbm>> -> memref<400xi32, #tpu.memory_space<hbm>>
        %dma_start3A_86 = tpu.memref_slice %arg4[%add3A_82] : memref<320000xi32, #tpu.memory_space<hbm>> -> memref<400xi32, #tpu.memory_space<hbm>>
        tpu.enqueue_dma source(%dma_start3A_86 : memref<400xi32, #tpu.memory_space<hbm>>) target(%arg8 : memref<400xi32, #tpu.memory_space<vmem>>) target_semaphore(%arg15 : memref<!tpu.dma_semaphore, #tpu.memory_space<semaphore_mem>>)
      } else {
      }
      %parallel_loop3A = arith.constant 0 : i32
      %parallel_loop3A_63 = arith.constant 400 : i32
      %parallel_loop3A_64 = arith.constant 1 : i32
      scf.for %parallel_loop3A_78 = %parallel_loop3A to %parallel_loop3A_63 step %parallel_loop3A_64  : i32 {
        %parallel_loop3A_79 = arith.index_cast %parallel_loop3A_78 : i32 to index
        %parallel_loop3A_80 = arith.constant 0 : index
        %parallel_loop3A_81 = tpu.vector_load %arg11[%parallel_loop3A_79, %parallel_loop3A_80] {strides = array<i32>} : memref<400x64xi32, #tpu.memory_space<vmem>>, vector<16xi32>,
        %parallel_loop3A_82 = arith.index_cast %parallel_loop3A_78 : i32 to index
        %parallel_loop3A_83 = arith.constant 0 : index
        %parallel_loop3A_84 = tpu.vector_load %arg12[%parallel_loop3A_82, %parallel_loop3A_83] {strides = array<i32>} : memref<400x64xi32, #tpu.memory_space<vmem>>, vector<16xi32>,
        %parallel_loop3A_85 = vector.bitcast %parallel_loop3A_81 : vector<16xi32> to vector<32xbf16>
        %parallel_loop3A_86 = vector.bitcast %parallel_loop3A_84 : vector<16xi32> to vector<32xbf16>
        %parallel_loop3A_87 = arith.mulf %parallel_loop3A_85, %parallel_loop3A_86 : vector<32xbf16>
        %parallel_loop3A_88 = tpu.unpack_subelements %parallel_loop3A_87, 0 {pack_format = #tpu.pack_format<interleaved>} : vector<32xbf16> -> vector<16xf32>
        %parallel_loop3A_89 = tpu.unpack_subelements %parallel_loop3A_87, 1 {pack_format = #tpu.pack_format<interleaved>} : vector<32xbf16> -> vector<16xf32>
        %parallel_loop3A_90 = arith.index_cast %parallel_loop3A_78 : i32 to index
        %parallel_loop3A_91 = arith.constant 16 : index
        %parallel_loop3A_92 = tpu.vector_load %arg11[%parallel_loop3A_90, %parallel_loop3A_91] {strides = array<i32>} : memref<400x64xi32, #tpu.memory_space<vmem>>, vector<16xi32>,
        %parallel_loop3A_93 = arith.index_cast %parallel_loop3A_78 : i32 to index
        %parallel_loop3A_94 = arith.constant 16 : index
        %parallel_loop3A_95 = tpu.vector_load %arg12[%parallel_loop3A_93, %parallel_loop3A_94] {strides = array<i32>} : memref<400x64xi32, #tpu.memory_space<vmem>>, vector<16xi32>,
        %parallel_loop3A_96 = vector.bitcast %parallel_loop3A_92 : vector<16xi32> to vector<32xbf16>
        %parallel_loop3A_97 = vector.bitcast %parallel_loop3A_95 : vector<16xi32> to vector<32xbf16>
        %parallel_loop3A_98 = arith.mulf %parallel_loop3A_96, %parallel_loop3A_97 : vector<32xbf16>
        %parallel_loop3A_99 = tpu.unpack_subelements %parallel_loop3A_98, 0 {pack_format = #tpu.pack_format<interleaved>} : vector<32xbf16> -> vector<16xf32>
        %parallel_loop3A_100 = tpu.unpack_subelements %parallel_loop3A_98, 1 {pack_format = #tpu.pack_format<interleaved>} : vector<32xbf16> -> vector<16xf32>
        %parallel_loop3A_101 = arith.index_cast %parallel_loop3A_78 : i32 to index
        %parallel_loop3A_102 = arith.constant 32 : index
        %parallel_loop3A_103 = tpu.vector_load %arg11[%parallel_loop3A_101, %parallel_loop3A_102] {strides = array<i32>} : memref<400x64xi32, #tpu.memory_space<vmem>>, vector<16xi32>,
        %parallel_loop3A_104 = arith.index_cast %parallel_loop3A_78 : i32 to index
        %parallel_loop3A_105 = arith.constant 32 : index
        %parallel_loop3A_106 = tpu.vector_load %arg12[%parallel_loop3A_104, %parallel_loop3A_105] {strides = array<i32>} : memref<400x64xi32, #tpu.memory_space<vmem>>, vector<16xi32>,
        %parallel_loop3A_107 = vector.bitcast %parallel_loop3A_103 : vector<16xi32> to vector<32xbf16>
        %parallel_loop3A_108 = vector.bitcast %parallel_loop3A_106 : vector<16xi32> to vector<32xbf16>
        %parallel_loop3A_109 = arith.mulf %parallel_loop3A_107, %parallel_loop3A_108 : vector<32xbf16>
        %parallel_loop3A_110 = tpu.unpack_subelements %parallel_loop3A_109, 0 {pack_format = #tpu.pack_format<interleaved>} : vector<32xbf16> -> vector<16xf32>
        %parallel_loop3A_111 = tpu.unpack_subelements %parallel_loop3A_109, 1 {pack_format = #tpu.pack_format<interleaved>} : vector<32xbf16> -> vector<16xf32>
        %parallel_loop3A_112 = arith.index_cast %parallel_loop3A_78 : i32 to index
        %parallel_loop3A_113 = arith.constant 48 : index
        %parallel_loop3A_114 = tpu.vector_load %arg11[%parallel_loop3A_112, %parallel_loop3A_113] {strides = array<i32>} : memref<400x64xi32, #tpu.memory_space<vmem>>, vector<16xi32>,
        %parallel_loop3A_115 = arith.index_cast %parallel_loop3A_78 : i32 to index
        %parallel_loop3A_116 = arith.constant 48 : index
        %parallel_loop3A_117 = tpu.vector_load %arg12[%parallel_loop3A_115, %parallel_loop3A_116] {strides = array<i32>} : memref<400x64xi32, #tpu.memory_space<vmem>>, vector<16xi32>,
        %parallel_loop3A_118 = vector.bitcast %parallel_loop3A_114 : vector<16xi32> to vector<32xbf16>
        %parallel_loop3A_119 = vector.bitcast %parallel_loop3A_117 : vector<16xi32> to vector<32xbf16>
        %parallel_loop3A_120 = arith.mulf %parallel_loop3A_118, %parallel_loop3A_119 : vector<32xbf16>
        %parallel_loop3A_121 = tpu.unpack_subelements %parallel_loop3A_120, 0 {pack_format = #tpu.pack_format<interleaved>} : vector<32xbf16> -> vector<16xf32>
        %parallel_loop3A_122 = tpu.unpack_subelements %parallel_loop3A_120, 1 {pack_format = #tpu.pack_format<interleaved>} : vector<32xbf16> -> vector<16xf32>
        %parallel_loop3A_123 = arith.addf %parallel_loop3A_88, %parallel_loop3A_89 : vector<16xf32>
        %parallel_loop3A_124 = arith.addf %parallel_loop3A_99, %parallel_loop3A_100 : vector<16xf32>
        %parallel_loop3A_125 = arith.addf %parallel_loop3A_123, %parallel_loop3A_124 : vector<16xf32>
        %parallel_loop3A_126 = arith.addf %parallel_loop3A_110, %parallel_loop3A_111 : vector<16xf32>
        %parallel_loop3A_127 = arith.addf %parallel_loop3A_121, %parallel_loop3A_122 : vector<16xf32>
        %parallel_loop3A_128 = arith.addf %parallel_loop3A_126, %parallel_loop3A_127 : vector<16xf32>
        %parallel_loop3A_129 = arith.addf %parallel_loop3A_125, %parallel_loop3A_128 : vector<16xf32>
        %parallel_loop3A_130 = arith.constant true
        %parallel_loop3A_131 = vector.broadcast %parallel_loop3A_130 : i1 to vector<16xi1>
        %parallel_loop3A_132 = tpu.scan <sum>, %parallel_loop3A_129 masked %parallel_loop3A_131 : vector<16xf32>, vector<16xi1> -> vector<16xf32>
        %parallel_loop3A_133 = arith.constant 0 : i32
        %parallel_loop3A_134 = vector.broadcast %parallel_loop3A_133 : i32 to vector<16xi32>
        %parallel_loop3A_135 = arith.constant 400 : i32
        %parallel_loop3A_136 = arith.muli %mul3A_43, %parallel_loop3A_135 : i32
        %parallel_loop3A_137 = arith.addi %parallel_loop3A_136, %parallel_loop3A_78 : i32
        %parallel_loop3A_138 = vector.broadcast %parallel_loop3A_137 : i32 to vector<16xi32>
        %parallel_loop3A_139 = arith.addi %parallel_loop3A_134, %parallel_loop3A_138 : vector<16xi32>
        tpu.vector_store_idx %arg6[%parallel_loop3A_139], %parallel_loop3A_132 masked %eq3A_4 : memref<10000xf32, #tpu.memory_space<vmem>>[vector<16xi32>], vector<16xf32>, vector<16xi1>
      } {sc.loop_unroll_factor = 8 : i64, sc.parallel_access}
      %add3A_65 = arith.constant 2 : i32
      %add3A_66 = arith.addi %mul3A_43, %add3A_65 : i32
      %lt3A_67 = arith.constant 25 : i32
      %lt3A_68 = arith.cmpi slt, %add3A_66, %lt3A_67 : i32
      %convert_element_type3A_69 = arith.extui %lt3A_68 : i1 to i32
      %cond3A_70 = arith.constant 0 : i32
      %cond3A_71 = arith.cmpi ne, %convert_element_type3A_69, %cond3A_70 : i32
      scf.if %cond3A_71 {
        %add3A_78 = arith.constant 2 : i32
        %add3A_79 = arith.addi %mul3A_43, %add3A_78 : i32
        %mul3A_80 = arith.constant 400 : i32
        %mul3A_81 = arith.muli %add3A_79, %mul3A_80 : i32
        %add3A_82 = arith.addi %mul3A_2, %mul3A_81 : i32
        %dma_wait3A_83 = tpu.memref_slice %arg3[%add3A_82] : memref<320000xi32, #tpu.memory_space<hbm>> -> memref<400xi32, #tpu.memory_space<hbm>>
        %dma_wait3A_84 = tpu.memref_slice %arg3[%add3A_82] : memref<320000xi32, #tpu.memory_space<hbm>> -> memref<400xi32, #tpu.memory_space<hbm>>
        tpu.wait_dma2 semaphore(%arg15 : memref<!tpu.dma_semaphore, #tpu.memory_space<semaphore_mem>>) src(%dma_wait3A_84 : memref<400xi32, #tpu.memory_space<hbm>>) dst(%arg7 : memref<400xi32, #tpu.memory_space<vmem>>)
        %dma_wait3A_85 = tpu.memref_slice %arg4[%add3A_82] : memref<320000xi32, #tpu.memory_space<hbm>> -> memref<400xi32, #tpu.memory_space<hbm>>
        %dma_wait3A_86 = tpu.memref_slice %arg4[%add3A_82] : memref<320000xi32, #tpu.memory_space<hbm>> -> memref<400xi32, #tpu.memory_space<hbm>>
        tpu.wait_dma2 semaphore(%arg15 : memref<!tpu.dma_semaphore, #tpu.memory_space<semaphore_mem>>) src(%dma_wait3A_86 : memref<400xi32, #tpu.memory_space<hbm>>) dst(%arg8 : memref<400xi32, #tpu.memory_space<vmem>>)
        %dma_start3A_87 = arith.constant 0 : i32
        %dma_start3A_88 = arith.constant 0 : i32
        %dma_start3A_89 = tpu.memref_slice %arg2[%dma_start3A_87, %dma_start3A_88] : memref<10000x64xi32, #tpu.memory_space<hbm>> -> memref<10000x64xi32, #tpu.memory_space<hbm>>
        tpu.enqueue_indirect_dma source(%dma_start3A_89 : memref<10000x64xi32, #tpu.memory_space<hbm>>) target(%arg11 : memref<400x64xi32, #tpu.memory_space<vmem>>) offsets(%arg7 : memref<400xi32, #tpu.memory_space<vmem>>) semaphore(%arg17 : memref<!tpu.dma_semaphore, #tpu.memory_space<semaphore_mem>>)
        %dma_start3A_90 = arith.constant 0 : i32
        %dma_start3A_91 = arith.constant 0 : i32
        %dma_start3A_92 = tpu.memref_slice %arg2[%dma_start3A_90, %dma_start3A_91] : memref<10000x64xi32, #tpu.memory_space<hbm>> -> memref<10000x64xi32, #tpu.memory_space<hbm>>
        tpu.enqueue_indirect_dma source(%dma_start3A_92 : memref<10000x64xi32, #tpu.memory_space<hbm>>) target(%arg12 : memref<400x64xi32, #tpu.memory_space<vmem>>) offsets(%arg8 : memref<400xi32, #tpu.memory_space<vmem>>) semaphore(%arg17 : memref<!tpu.dma_semaphore, #tpu.memory_space<semaphore_mem>>)
      } else {
      }
      %lt3A_72 = arith.constant 25 : i32
      %lt3A_73 = arith.cmpi slt, %add3A_47, %lt3A_72 : i32
      %convert_element_type3A_74 = arith.extui %lt3A_73 : i1 to i32
      %cond3A_75 = arith.constant 0 : i32
      %cond3A_76 = arith.cmpi ne, %convert_element_type3A_74, %cond3A_75 : i32
      scf.if %cond3A_76 {
        %dma_wait3A_78 = arith.constant 0 : i32
        %dma_wait3A_79 = arith.constant 0 : i32
        %dma_wait3A_80 = tpu.memref_slice %arg2[%dma_wait3A_78, %dma_wait3A_79] : memref<10000x64xi32, #tpu.memory_space<hbm>> -> memref<10000x64xi32, #tpu.memory_space<hbm>>
        tpu.wait_indirect_dma semaphore(%arg18 : memref<!tpu.dma_semaphore, #tpu.memory_space<semaphore_mem>>) src(%dma_wait3A_80 : memref<10000x64xi32, #tpu.memory_space<hbm>>) dst(%arg13 : memref<400x64xi32, #tpu.memory_space<vmem>>)
        %dma_wait3A_81 = arith.constant 0 : i32
        %dma_wait3A_82 = arith.constant 0 : i32
        %dma_wait3A_83 = tpu.memref_slice %arg2[%dma_wait3A_81, %dma_wait3A_82] : memref<10000x64xi32, #tpu.memory_space<hbm>> -> memref<10000x64xi32, #tpu.memory_space<hbm>>
        tpu.wait_indirect_dma semaphore(%arg18 : memref<!tpu.dma_semaphore, #tpu.memory_space<semaphore_mem>>) src(%dma_wait3A_83 : memref<10000x64xi32, #tpu.memory_space<hbm>>) dst(%arg14 : memref<400x64xi32, #tpu.memory_space<vmem>>)
        %add3A_84 = arith.constant 2 : i32
        %add3A_85 = arith.addi %add3A_47, %add3A_84 : i32
        %lt3A_86 = arith.constant 25 : i32
        %lt3A_87 = arith.cmpi slt, %add3A_85, %lt3A_86 : i32
        %convert_element_type3A_88 = arith.extui %lt3A_87 : i1 to i32
        %cond3A_89 = arith.constant 0 : i32
        %cond3A_90 = arith.cmpi ne, %convert_element_type3A_88, %cond3A_89 : i32
        scf.if %cond3A_90 {
          %add3A_94 = arith.constant 2 : i32
          %add3A_95 = arith.addi %add3A_47, %add3A_94 : i32
          %mul3A_96 = arith.constant 400 : i32
          %mul3A_97 = arith.muli %add3A_95, %mul3A_96 : i32
          %add3A_98 = arith.addi %mul3A_2, %mul3A_97 : i32
          %dma_start3A_99 = tpu.memref_slice %arg3[%add3A_98] : memref<320000xi32, #tpu.memory_space<hbm>> -> memref<400xi32, #tpu.memory_space<hbm>>
          %dma_start3A_100 = tpu.memref_slice %arg3[%add3A_98] : memref<320000xi32, #tpu.memory_space<hbm>> -> memref<400xi32, #tpu.memory_space<hbm>>
          tpu.enqueue_dma source(%dma_start3A_100 : memref<400xi32, #tpu.memory_space<hbm>>) target(%arg9 : memref<400xi32, #tpu.memory_space<vmem>>) target_semaphore(%arg16 : memref<!tpu.dma_semaphore, #tpu.memory_space<semaphore_mem>>)
          %dma_start3A_101 = tpu.memref_slice %arg4[%add3A_98] : memref<320000xi32, #tpu.memory_space<hbm>> -> memref<400xi32, #tpu.memory_space<hbm>>
          %dma_start3A_102 = tpu.memref_slice %arg4[%add3A_98] : memref<320000xi32, #tpu.memory_space<hbm>> -> memref<400xi32, #tpu.memory_space<hbm>>
          tpu.enqueue_dma source(%dma_start3A_102 : memref<400xi32, #tpu.memory_space<hbm>>) target(%arg10 : memref<400xi32, #tpu.memory_space<vmem>>) target_semaphore(%arg16 : memref<!tpu.dma_semaphore, #tpu.memory_space<semaphore_mem>>)
        } else {
        }
        %parallel_loop3A_91 = arith.constant 0 : i32
        %parallel_loop3A_92 = arith.constant 400 : i32
        %parallel_loop3A_93 = arith.constant 1 : i32
        scf.for %parallel_loop3A_94 = %parallel_loop3A_91 to %parallel_loop3A_92 step %parallel_loop3A_93  : i32 {
          %parallel_loop3A_95 = arith.index_cast %parallel_loop3A_94 : i32 to index
          %parallel_loop3A_96 = arith.constant 0 : index
          %parallel_loop3A_97 = tpu.vector_load %arg13[%parallel_loop3A_95, %parallel_loop3A_96] {strides = array<i32>} : memref<400x64xi32, #tpu.memory_space<vmem>>, vector<16xi32>,
          %parallel_loop3A_98 = arith.index_cast %parallel_loop3A_94 : i32 to index
          %parallel_loop3A_99 = arith.constant 0 : index
          %parallel_loop3A_100 = tpu.vector_load %arg14[%parallel_loop3A_98, %parallel_loop3A_99] {strides = array<i32>} : memref<400x64xi32, #tpu.memory_space<vmem>>, vector<16xi32>,
          %parallel_loop3A_101 = vector.bitcast %parallel_loop3A_97 : vector<16xi32> to vector<32xbf16>
          %parallel_loop3A_102 = vector.bitcast %parallel_loop3A_100 : vector<16xi32> to vector<32xbf16>
          %parallel_loop3A_103 = arith.mulf %parallel_loop3A_101, %parallel_loop3A_102 : vector<32xbf16>
          %parallel_loop3A_104 = tpu.unpack_subelements %parallel_loop3A_103, 0 {pack_format = #tpu.pack_format<interleaved>} : vector<32xbf16> -> vector<16xf32>
          %parallel_loop3A_105 = tpu.unpack_subelements %parallel_loop3A_103, 1 {pack_format = #tpu.pack_format<interleaved>} : vector<32xbf16> -> vector<16xf32>
          %parallel_loop3A_106 = arith.index_cast %parallel_loop3A_94 : i32 to index
          %parallel_loop3A_107 = arith.constant 16 : index
          %parallel_loop3A_108 = tpu.vector_load %arg13[%parallel_loop3A_106, %parallel_loop3A_107] {strides = array<i32>} : memref<400x64xi32, #tpu.memory_space<vmem>>, vector<16xi32>,
          %parallel_loop3A_109 = arith.index_cast %parallel_loop3A_94 : i32 to index
          %parallel_loop3A_110 = arith.constant 16 : index
          %parallel_loop3A_111 = tpu.vector_load %arg14[%parallel_loop3A_109, %parallel_loop3A_110] {strides = array<i32>} : memref<400x64xi32, #tpu.memory_space<vmem>>, vector<16xi32>,
          %parallel_loop3A_112 = vector.bitcast %parallel_loop3A_108 : vector<16xi32> to vector<32xbf16>
          %parallel_loop3A_113 = vector.bitcast %parallel_loop3A_111 : vector<16xi32> to vector<32xbf16>
          %parallel_loop3A_114 = arith.mulf %parallel_loop3A_112, %parallel_loop3A_113 : vector<32xbf16>
          %parallel_loop3A_115 = tpu.unpack_subelements %parallel_loop3A_114, 0 {pack_format = #tpu.pack_format<interleaved>} : vector<32xbf16> -> vector<16xf32>
          %parallel_loop3A_116 = tpu.unpack_subelements %parallel_loop3A_114, 1 {pack_format = #tpu.pack_format<interleaved>} : vector<32xbf16> -> vector<16xf32>
          %parallel_loop3A_117 = arith.index_cast %parallel_loop3A_94 : i32 to index
          %parallel_loop3A_118 = arith.constant 32 : index
          %parallel_loop3A_119 = tpu.vector_load %arg13[%parallel_loop3A_117, %parallel_loop3A_118] {strides = array<i32>} : memref<400x64xi32, #tpu.memory_space<vmem>>, vector<16xi32>,
          %parallel_loop3A_120 = arith.index_cast %parallel_loop3A_94 : i32 to index
          %parallel_loop3A_121 = arith.constant 32 : index
          %parallel_loop3A_122 = tpu.vector_load %arg14[%parallel_loop3A_120, %parallel_loop3A_121] {strides = array<i32>} : memref<400x64xi32, #tpu.memory_space<vmem>>, vector<16xi32>,
          %parallel_loop3A_123 = vector.bitcast %parallel_loop3A_119 : vector<16xi32> to vector<32xbf16>
          %parallel_loop3A_124 = vector.bitcast %parallel_loop3A_122 : vector<16xi32> to vector<32xbf16>
          %parallel_loop3A_125 = arith.mulf %parallel_loop3A_123, %parallel_loop3A_124 : vector<32xbf16>
          %parallel_loop3A_126 = tpu.unpack_subelements %parallel_loop3A_125, 0 {pack_format = #tpu.pack_format<interleaved>} : vector<32xbf16> -> vector<16xf32>
          %parallel_loop3A_127 = tpu.unpack_subelements %parallel_loop3A_125, 1 {pack_format = #tpu.pack_format<interleaved>} : vector<32xbf16> -> vector<16xf32>
          %parallel_loop3A_128 = arith.index_cast %parallel_loop3A_94 : i32 to index
          %parallel_loop3A_129 = arith.constant 48 : index
          %parallel_loop3A_130 = tpu.vector_load %arg13[%parallel_loop3A_128, %parallel_loop3A_129] {strides = array<i32>} : memref<400x64xi32, #tpu.memory_space<vmem>>, vector<16xi32>,
          %parallel_loop3A_131 = arith.index_cast %parallel_loop3A_94 : i32 to index
          %parallel_loop3A_132 = arith.constant 48 : index
          %parallel_loop3A_133 = tpu.vector_load %arg14[%parallel_loop3A_131, %parallel_loop3A_132] {strides = array<i32>} : memref<400x64xi32, #tpu.memory_space<vmem>>, vector<16xi32>,
          %parallel_loop3A_134 = vector.bitcast %parallel_loop3A_130 : vector<16xi32> to vector<32xbf16>
          %parallel_loop3A_135 = vector.bitcast %parallel_loop3A_133 : vector<16xi32> to vector<32xbf16>
          %parallel_loop3A_136 = arith.mulf %parallel_loop3A_134, %parallel_loop3A_135 : vector<32xbf16>
          %parallel_loop3A_137 = tpu.unpack_subelements %parallel_loop3A_136, 0 {pack_format = #tpu.pack_format<interleaved>} : vector<32xbf16> -> vector<16xf32>
          %parallel_loop3A_138 = tpu.unpack_subelements %parallel_loop3A_136, 1 {pack_format = #tpu.pack_format<interleaved>} : vector<32xbf16> -> vector<16xf32>
          %parallel_loop3A_139 = arith.addf %parallel_loop3A_104, %parallel_loop3A_105 : vector<16xf32>
          %parallel_loop3A_140 = arith.addf %parallel_loop3A_115, %parallel_loop3A_116 : vector<16xf32>
          %parallel_loop3A_141 = arith.addf %parallel_loop3A_139, %parallel_loop3A_140 : vector<16xf32>
          %parallel_loop3A_142 = arith.addf %parallel_loop3A_126, %parallel_loop3A_127 : vector<16xf32>
          %parallel_loop3A_143 = arith.addf %parallel_loop3A_137, %parallel_loop3A_138 : vector<16xf32>
          %parallel_loop3A_144 = arith.addf %parallel_loop3A_142, %parallel_loop3A_143 : vector<16xf32>
          %parallel_loop3A_145 = arith.addf %parallel_loop3A_141, %parallel_loop3A_144 : vector<16xf32>
          %parallel_loop3A_146 = arith.constant true
          %parallel_loop3A_147 = vector.broadcast %parallel_loop3A_146 : i1 to vector<16xi1>
          %parallel_loop3A_148 = tpu.scan <sum>, %parallel_loop3A_145 masked %parallel_loop3A_147 : vector<16xf32>, vector<16xi1> -> vector<16xf32>
          %parallel_loop3A_149 = arith.constant 0 : i32
          %parallel_loop3A_150 = vector.broadcast %parallel_loop3A_149 : i32 to vector<16xi32>
          %parallel_loop3A_151 = arith.constant 400 : i32
          %parallel_loop3A_152 = arith.muli %add3A_47, %parallel_loop3A_151 : i32
          %parallel_loop3A_153 = arith.addi %parallel_loop3A_152, %parallel_loop3A_94 : i32
          %parallel_loop3A_154 = vector.broadcast %parallel_loop3A_153 : i32 to vector<16xi32>
          %parallel_loop3A_155 = arith.addi %parallel_loop3A_150, %parallel_loop3A_154 : vector<16xi32>
          tpu.vector_store_idx %arg6[%parallel_loop3A_155], %parallel_loop3A_148 masked %eq3A_4 : memref<10000xf32, #tpu.memory_space<vmem>>[vector<16xi32>], vector<16xf32>, vector<16xi1>
        } {sc.loop_unroll_factor = 8 : i64, sc.parallel_access}
      } else {
      }
      %scan3A_77 = arith.constant 0 : i32
      scf.yield %scan3A_77 : i32
    }
    %scan3A_32 = arith.constant 13 : i32
    %scan3A_33 = arith.constant 0 : i32
    %scan3A_34 = arith.constant 0 : i32
    %scan3A_35 = arith.constant 625 : i32
    %scan3A_36 = arith.addi %scan3A_34, %scan3A_35 : i32
    %scan3A_37 = arith.constant 1 : i32
    %scan3A_38 = scf.for %scan3A_40 = %scan3A_34 to %scan3A_36 step %scan3A_37 iter_args(%scan3A_41 = %scan3A_33) -> (i32)  : i32 {
      %mul3A_42 = arith.constant 16 : i32
      %mul3A_43 = arith.muli %scan3A_40, %mul3A_42 : i32
      %get3A = arith.index_cast %mul3A_43 : i32 to index
      %get3A_44 = tpu.vector_load %arg6[%get3A] {strides = array<i32>} : memref<10000xf32, #tpu.memory_space<vmem>>, vector<16xf32>,
      %neg3A = arith.constant 0.000000e+00 : f32
      %neg3A_45 = vector.broadcast %neg3A : f32 to vector<16xf32>
      %neg3A_46 = arith.subf %neg3A_45, %get3A_44 : vector<16xf32>
      %exp3A = math.exp %neg3A_46 : vector<16xf32>
      %add3A_47 = arith.constant 1.000000e+00 : f32
      %add3A_48 = vector.broadcast %add3A_47 : f32 to vector<16xf32>
      %add3A_49 = arith.addf %add3A_48, %exp3A : vector<16xf32>
      %div3A = arith.constant 1.000000e+00 : f32
      %div3A_50 = vector.broadcast %div3A : f32 to vector<16xf32>
      %div3A_51 = arith.divf %div3A_50, %add3A_49 : vector<16xf32>
      %swap3A = arith.index_cast %mul3A_43 : i32 to index
      %swap3A_52 = tpu.vector_load %arg6[%swap3A] {strides = array<i32>} : memref<10000xf32, #tpu.memory_space<vmem>>, vector<16xf32>,
      tpu.vector_store %arg6[%swap3A], %div3A_51 {strides = array<i32>} : memref<10000xf32, #tpu.memory_space<vmem>>, vector<16xf32>,
      %scan3A_53 = arith.constant 0 : i32
      scf.yield %scan3A_53 : i32
    }
    %scan3A_39 = arith.constant 625 : i32
    "tpu.region"() ({
      %run_scoped3A = tpu.sem_alloc : memref<!tpu.dma_semaphore, #tpu.memory_space<semaphore_mem>>
      %dma_start3A_40 = tpu.memref_slice %arg5[%mul3A_2] : memref<320000xf32, #tpu.memory_space<hbm>> -> memref<10000xf32, #tpu.memory_space<hbm>>
      %dma_start3A_41 = tpu.memref_slice %arg5[%mul3A_2] : memref<320000xf32, #tpu.memory_space<hbm>> -> memref<10000xf32, #tpu.memory_space<hbm>>
      tpu.enqueue_dma source(%arg6 : memref<10000xf32, #tpu.memory_space<vmem>>) target(%dma_start3A_41 : memref<10000xf32, #tpu.memory_space<hbm>>) target_semaphore(%run_scoped3A : memref<!tpu.dma_semaphore, #tpu.memory_space<semaphore_mem>>)
      %dma_wait3A_42 = tpu.memref_slice %arg5[%mul3A_2] : memref<320000xf32, #tpu.memory_space<hbm>> -> memref<10000xf32, #tpu.memory_space<hbm>>
      %dma_wait3A_43 = tpu.memref_slice %arg5[%mul3A_2] : memref<320000xf32, #tpu.memory_space<hbm>> -> memref<10000xf32, #tpu.memory_space<hbm>>
      tpu.wait_dma2 semaphore(%run_scoped3A : memref<!tpu.dma_semaphore, #tpu.memory_space<semaphore_mem>>) src(%arg6 : memref<10000xf32, #tpu.memory_space<vmem>>) dst(%dma_wait3A_43 : memref<10000xf32, #tpu.memory_space<hbm>>)
      tpu.yield
    }) : () -> ()
    return
  }
}

</mosaic_0001>

<sc_bundles>
// kernel: _decode.3.cloned.1.call-start
scs
__scs_entry_jumppad:
0x0: {  	(pc) =	sbr.rel $0x88, $3  }
0x1: {  	(tag) =	ssettag $0x0;
	lr =	simm.s32 $0x1  }
0x2: {  	[smem:$0x3F9E] =	sst lr;
	_ =	strace $0xD0000000  }
0x3: {  	_ = 	snop  }
0x4: {  	_ = 	snop  }
0x5: {  	_ = 	snop  }
0x6: {  	_ = 	snop  }
0x7: {  	_ = 	snop  }
__scs_overlays_trampoline_lowered:
0x8: {  	[smem:$0x3FAD] =	sst s0  }
0x9: {  	[smem:$0x3FAE] =	sst s1  }
0xa: {  	[smem:$0x3FAF] =	sst s2  }
0xb: {  	[smem:$0x3FB0] =	sst s3  }
0xc: {  	[smem:$0x3FB1] =	sst s4  }
0xd: {  	[smem:$0x3FB2] =	sst s5  }
0xe: {  	[smem:$0x3FB3] =	sst s6  }
0xf: {  	[smem:$0x3FB4] =	sst s7  }
0x10: {  	[smem:$0x3FB5] =	sst s8  }
0x11: {  	[smem:$0x3FB6] =	sst s9;
	s0 =	simm.s32 @!p0 $0x0  }
0x12: {  	s1 =	sld [smem:$0x3F9C];
	s0 =	simm.s32 @p0 $0x1  }
0x13: {  	[smem:$0x3FB7] =	sst s0;
	s0 =	simm.s32 @!p1 $0x0  }
0x14: {  	s2 =	sld [smem:$0x3F9B];
	s0 =	simm.s32 @p1 $0x1  }
0x15: {  	[smem:$0x3FB8] =	sst s0;
	s0 =	simm.s32 @!p2 $0x0  }
0x16: {  	s3 =	sld [smem:$0x3FDB];
	s0 =	simm.s32 @p2 $0x1  }
0x17: {  	s4 =	simm.s32 $0x1BF5;
	[smem:$0x3FBA] =	sst s0  }
0x18: {  	s0 =	sld [smem:$0x3F9D];
	_ =	swait.ge [sflag:s4], $0x0  }
0x19: {  	s7 =	sld [smem:$0x3F9E]  }
0x1a: {  	s8 =	sadd.s32 $0xFFFFE003, lr  }
0x1b: {  	s9 =	sadd.s32 $0xFFFFFEF7, lr;
	s5 =	simm.s32 $0xFFFFFFFF;
	p2 =	slt.u32 s8, $0xFFFFF086  }
0x1c: {  	p1 =	slt.u32 s9, $0xF7A;
	s5 =	simm.s32 @!p2 $0x0  }
0x1d: {  	s5 =	simm.s32 @p1 $0x1;
	p0 =	seq.s32 s7, s2  }
0x1e: {  	s7 =	smul.u32 @!p0 $0xF7A, s2;
	p2 =	seq.s32 @!p0 s5, $0x0  }
0x1f: {  	s9 =	smul.u32 $0xF7A, s1;
	s8 =	simm.s32 @!p0 $0x1BF5;
	p2 =	por !p2, p0  }
0x20: {  	[sflag:s8] =	ssyncset.s32 @!p0 $0xFFFFF086;
	s6 =	sadd.s32 @!p0 s3, s7;
	s7 =	simm.s32 @!p0 $0x108  }
0x21: {  	s3 =	sadd.s32 s3, s9;
	s6 =	sadd.s32 @!p0 $0x88, s6;
	s7 =	simm.s32 @p2 $0x1082  }
0x22: {  	[simem:s7], [sflag:s8] =	dma.local @!p0 [hbm:s6], $0xF7A  }
0x23: {  	s9 =	sor.u32 $0xD0000000, s2;
	s6 =	simm.s32 $0x108;
	_ =	swait.ge @!p0 [sflag:s8], $0x0  }
0x24: {  	s3 =	sadd.s32 $0x88, s3;
	s6 =	simm.s32 @!p1 $0x1082;
	[sflag:s4] =	ssyncset.s32 $0xFFFFF086  }
0x25: {  	[simem:s6], [sflag:s4] =	dma.local [hbm:s3], $0xF7A  }
0x26: {  	[smem:$0x3F9E] =	sst s1;
	(tag) =	ssettag s2;
	_ =	strace s9  }
0x27: {  	s1 =	sld [smem:$0x3FAE]  }
0x28: {  	s2 =	sld [smem:$0x3FAF]  }
0x29: {  	s4 =	sld [smem:$0x3FB1]  }
0x2a: {  	p0 =	seq.s32 s5, $0x0;
	s5 =	sld [smem:$0x3FB2]  }
0x2b: {  	s6 =	sld [smem:$0x3FB3]  }
0x2c: {  	s7 =	sld [smem:$0x3FB4]  }
0x2d: {  	s3 =	simm.s32 $0x108;
	s8 =	sld [smem:$0x3FB5]  }
0x2e: {  	s3 =	simm.s32 @!p0 $0x1082;
	s9 =	sld [smem:$0x3FB6]  }
0x2f: {  	lr =	sadd.s32 s0, s3;
	s0 =	sld [smem:$0x3FAD]  }
0x30: {  	s3 =	sld [smem:$0x3FB0]  }
0x31: {  	[smem:$0x3FB9] =	sst s10  }
0x32: {  	s10 =	sld [smem:$0x3FB7];
	_ =	sdelay $0x3  }
0x33: {  	p0 =	seq.s32 s10, $0x1;
	s10 =	sld [smem:$0x3FB9];
	_ =	sdelay $0x3  }
0x34: {  	[smem:$0x3FB9] =	sst s10  }
0x35: {  	s10 =	sld [smem:$0x3FB8];
	_ =	sdelay $0x3  }
0x36: {  	p1 =	seq.s32 s10, $0x1;
	s10 =	sld [smem:$0x3FB9];
	_ =	sdelay $0x3  }
0x37: {  	[smem:$0x3FB9] =	sst s10  }
0x38: {  	s10 =	sld [smem:$0x3FBA]  }
0x39: {  	_ = 	snop;
	(pc) =	sbr.ind lr, $3  }
0x3a: {  	_ = 	snop  }
0x3b: {  	_ = 	snop  }
0x3c: {  	p2 =	seq.s32 s10, $0x1;
	s10 =	sld [smem:$0x3FB9]  }
0x3d: {  	_ =	shalt  }
0x3e: {  	_ =	shalt  }
0x3f: {  	_ =	shalt  }
0x40: {  	_ =	shalt  }
0x41: {  	_ =	shalt  }
0x42: {  	_ =	shalt  }
0x43: {  	_ =	shalt  }
0x44: {  	_ =	shalt  }
0x45: {  	_ =	shalt  }
0x46: {  	_ =	shalt  }
0x47: {  	_ =	shalt  }
0x48: {  	_ =	shalt  }
0x49: {  	_ =	shalt  }
0x4a: {  	_ =	shalt  }
0x4b: {  	_ =	shalt  }
0x4c: {  	_ =	shalt  }
0x4d: {  	_ =	shalt  }
0x4e: {  	_ =	shalt  }
0x4f: {  	_ =	shalt  }
0x50: {  	_ =	shalt  }
0x51: {  	_ =	shalt  }
0x52: {  	_ =	shalt  }
0x53: {  	_ =	shalt  }
0x54: {  	_ =	shalt  }
0x55: {  	_ =	shalt  }
0x56: {  	_ =	shalt  }
0x57: {  	_ =	shalt  }
0x58: {  	_ =	shalt  }
0x59: {  	_ =	shalt  }
0x5a: {  	_ =	shalt  }
0x5b: {  	_ =	shalt  }
0x5c: {  	_ =	shalt  }
0x5d: {  	_ =	shalt  }
0x5e: {  	_ =	shalt  }
0x5f: {  	_ =	shalt  }
0x60: {  	_ =	shalt  }
0x61: {  	_ =	shalt  }
0x62: {  	_ =	shalt  }
0x63: {  	_ =	shalt  }
0x64: {  	_ =	shalt  }
0x65: {  	_ =	shalt  }
0x66: {  	_ =	shalt  }
0x67: {  	_ =	shalt  }
0x68: {  	_ =	shalt  }
0x69: {  	_ =	shalt  }
0x6a: {  	_ =	shalt  }
0x6b: {  	_ =	shalt  }
0x6c: {  	_ =	shalt  }
0x6d: {  	_ =	shalt  }
0x6e: {  	_ =	shalt  }
0x6f: {  	_ =	shalt  }
0x70: {  	_ =	shalt  }
0x71: {  	_ =	shalt  }
0x72: {  	_ =	shalt  }
0x73: {  	_ =	shalt  }
0x74: {  	_ =	shalt  }
0x75: {  	_ =	shalt  }
0x76: {  	_ =	shalt  }
0x77: {  	_ =	shalt  }
0x78: {  	_ =	shalt  }
0x79: {  	_ =	shalt  }
0x7a: {  	_ =	shalt  }
0x7b: {  	_ =	shalt  }
0x7c: {  	_ =	shalt  }
0x7d: {  	_ =	shalt  }
0x7e: {  	_ =	shalt  }
0x7f: {  	_ =	shalt  }
0x80: {  	_ =	shalt  }
0x81: {  	_ =	shalt  }
0x82: {  	_ =	shalt  }
0x83: {  	_ =	shalt  }
0x84: {  	_ =	shalt  }
0x85: {  	_ =	shalt  }
0x86: {  	_ =	shalt  }
0x87: {  	_ =	shalt  }
.Lfunc_end0:
.L_simem_size_0:
called_computation_lowered:
.L_overlay_start_0:
0x88: {  	s2 =	sld [smem:$0x3FD9]  }
0x89: {  	s3 =	sld [smem:$0x3FFE];
	_ =	sdelay $0x1  }
0x8a: {  	s1 =	srdreg.scid  }
0x8b: {  	s0 =	sand.u32 $0x1, s1  }
0x8c: {  	s17 =	sshll.u32 s0, $0xA;
	s2 =	sadd.s32 s3, s2  }
0x8d: {  	s2 =	sadd.s32 s2, s17  }
0x8e: {  	[smem:$0x3FC5] =	sst s2  }
0x8f: {  	_ = 	snop  }
0x90: {  	s2 =	sld [smem:$0x3FC8]  }
0x91: {  	s18 =	sld [smem:$0x3FC7]  }
0x92: {  	s4 =	sld [smem:$0x3FD0];
	(tm) =	ssettm $0x1  }
0x93: {  	s5 =	sld [smem:$0x3FFB];
	_ =	sdelay $0x3  }
0x94: {  	_ =	strace s5  }
0x95: {  	s5 =	sld [smem:$0x3FFC];
	_ =	sdelay $0x3  }
0x96: {  	_ =	strace s5  }
0x97: {  	s5 =	sld [smem:$0x3FFD];
	_ =	sdelay $0x3  }
0x98: {  	_ =	strace s5  }
0x99: {  	_ =	strace $0x8FFFFFFF  }
0x9a: {  	s19 =	sld [smem:$0x3FDB];
	_ =	sdelay $0x1  }
0x9b: {  	s6 =	simm.s32 $_scs_section_size  }
0x9c: {  	s7 =	simm.s32 $_size__tile_overlayer_lowered;
	s8 =	simm.s32 $_tile_overlayer_lowered  }
0x9d: {  	s22 =	simm.s32 $0x1BFF;
	s21 =	sshll.u32 s8, $0x1;
	s5 =	sadd.s32 s6, s19  }
0x9e: {  	s9 =	simm.s32 $0x0;
	s20 =	sshll.u32 s7, $0x1;
	s7 =	sadd.s32 s21, s5  }
0x9f: {  	[timem:s9], [sflag:s22] =	dma.local [hbm:s7], s20  }
0xa0: {  	_ =	swait.ge [sflag:s22], s20  }
0xa1: {  	s6 =	ssub.s32 $0x0, s20;
	[sflag:s22] =	ssyncset.done $0x0  }
0xa2: {  	[sflag:s22] =	ssyncadd.s32 s6;
	_ =	sdelay $0x1  }
0xa3: {  	s23 =	simm.s32 $0x1B8B  }
0xa4: {  	_ =	swait.ge [sflag:s23], $0x1  }
0xa5: {  	[sflag:s23] =	ssyncset.done $0x0  }
0xa6: {  	s25 =	simm.s32 $0x1B8E;
	s24 =	sld [smem:$0x3FFE];
	[sflag:s23] =	ssyncadd.s32 $0xFFFFFFFF  }
0xa7: {  	s26 =	simm.s32 $execute0_lowered;
	[smem:$0x3FD2] =	sst s25  }
0xa8: {  	s7 =	sshll.u32 s26, $0x1;
	_ =	strace $0x80000046;
	[dreg:$0x1] =	wrdreg $0xFFFFFFFF  }
0xa9: {  	s28 =	simm.s32 $_size_execute0_lowered;
	s5 =	sadd.s32 s5, s7;
	[dreg:$0x0] =	wrdreg $0x0  }
0xaa: {  	s7 =	sshll.u32 s28, $0x1;
	[dreg:$0x2] =	wrdreg s5  }
0xab: {  	[dreg:$0x3] =	wrdreg s7  }
0xac: {  	[dreg:$0x4] =	wrdreg $0xC0  }
0xad: {  	_ =	task [dreg:s9], $0x5FFFF  }
0xae: {  	[dreg:$0x1] =	wrdreg $0xFFFFFFFF  }
0xaf: {  	[dreg:$0x0] =	wrdreg $0x60  }
0xb0: {  	[dreg:$0x2] =	wrdreg s24  }
0xb1: {  	[dreg:$0x3] =	wrdreg s2  }
0xb2: {  	[dreg:$0x4] =	wrdreg s18  }
0xb3: {  	[dreg:$0x5] =	wrdreg s4  }
0xb4: {  	[dreg:$0x6] =	wrdreg $0x9  }
0xb5: {  	_ =	task.clear_ibuf [dreg:s9], $0x7FFFF;
	_ =	strace $0x90000046  }
0xb6: {  	s29 =	simm.s32 $0x9;
	_ =	strace $0x80000048  }
0xb7: {  	_ =	swait.ge [sflag:s29], $0x1  }
0xb8: {  	[sflag:s29] =	ssyncadd.s32 $0xFFFFFFFF  }
0xb9: {  	_ =	strace $0x90000048  }
0xba: {  	_ =	sfence  }
0xbb: {  	s30 =	sld [smem:$0x0];
	_ =	sdelay $0x2  }
0xbc: {  	s31 =	sshll.u32 s1, $0xD;
	s1 =	sshrl.u32 s1, $0x2  }
0xbd: {  	s3 =	sand.u32 $0x4000, s31;
	s1 =	sadd.s32 s1, s30  }
0xbe: {  	s0 =	sor.u32 s3, s0;
	s1 =	sshll.u32 s1, $0x11  }
0xbf: {  	s0 =	sor.u32 s1, s0  }
0xc0: {  	s0 =	sadd.s32 $0x8F2B, s0  }
0xc1: {  	[sflag:s0] =	ssyncadd.remote.s32 $0x1  }
0xc2: {  	_ =	sfence.sel $0xFFFF  }
0xc3: {  	[dreg:$0x0] =	wrdreg $0xFFFFFFFF;
	(pc) =	sbr.abs _section_cstart, $3  }
0xc4: {  	[dreg:$0x1] =	wrdreg $0xFFFFFFFF  }
0xc5: {  	_ =	task.clear_ibuf [dreg:s9], $0x2FFFF;
	_ =	strace $0x9FFFFFFF  }
0xc6: {  	(tm) =	ssettm $0x7FFFFFFF  }
0xc7: {  	_ =	shalt  }
tec
execute0_lowered:
.L_overlay_start_1:
0x0: {  	(tag) =	ssettag $0x1  }
0x1: {  	s1 =	rddreg [dreg:$0x0]  }
0x2: {  	s2 =	rddreg [dreg:$0x1]  }
0x3: {  	s4 =	rddreg [dreg:$0x2]  }
0x4: {  	s0 =	srdreg.scid;
	s5 =	stileid.u32  }
0x5: {  	s3 =	rddreg [dreg:$0x3];
	s18 =	simm.s32 $0x1;
	s19 =	simm.s32 $0x190  }
0x6: {  	s22 =	simm.s32 $0x3;
	s0 =	sand.u32 $0x1, s0;
	s5 =	sshll.u32 s5, $0x1  }
0x7: {  	s23 =	simm.s32 $0x4;
	s24 =	simm.s32 $0x5;
	s6 =	sor.u32 s0, s5  }
0x8: {  	s5 =	simm.s32 $0x0;
	s0 =	ssub.s32 $0x2, s0;
	s11 =	smul.u32 $0x2710, s6  }
0x9: {  	s25 =	simm.s32 $0x0;
	[smem:$0x7FF] =	sst s5;
	s31 =	sshrl.u32 s0, $0x1  }
0xa: {  	_ =	strace $0x80000047;
	s0 =	ssub.s32 s0, s31;
	s12 =	sshrl.u32 s11, $0x3  }
0xb: {  	s10 =	sadd.s32 $0x320, s11;
	s11 =	sadd.s32 $0x4B0, s11;
	s13 =	smax.u32 s0, $0x1  }
0xc: {  	v0 =	vimm.s32 $0x0;
	vm0 =	vcmask $0x300;
	s6 =	sadd.s32 s2, s12;
	s7 =	sadd.s32 s4, s12;
	s9 =	sadd.s32 $0x32, s12  }
0xd: {  	v0 =	vsel vm0, $0x3, v0;
	vm0 =	vcmask $0x3F3C;
	s12 =	sadd.s32 s3, s12;
	s8 =	sadd.s32 s2, s9;
	s9 =	sadd.s32 s4, s9  }
.LBB2_1:
0xe: {  	s0 =	simm.s32 $0x2710  }
0xf: {  	[tilespmem:s0], [sflag:$0x1] =	stream.linear.gather [hbm4b:s6+s5], $0x190, $0x38;
	[tilespmem:$0x1BD50] =	vst v63  }
0x10: {  	s3 =	simm.s32 $0x28A0  }
0x11: {  	[tilespmem:s3], [sflag:$0x1] =	stream.linear.gather [hbm4b:s7+s5], $0x190, $0x38;
	[tilespmem:$0x1BD50] =	vst v63  }
0x12: {  	s14 =	simm.s32 $0x2A30  }
0x13: {  	[tilespmem:s14], [sflag:$0x2] =	stream.linear.gather [hbm4b:s8+s5], $0x190, $0x38;
	[tilespmem:$0x1BD50] =	vst v63  }
0x14: {  	s29 =	simm.s32 $0x2BC0  }
0x15: {  	[tilespmem:s29], [sflag:$0x2] =	stream.linear.gather [hbm4b:s9+s5], $0x190, $0x38;
	[tilespmem:$0x1BD50] =	vst v63  }
0x16: {  	_ =	swait.ge [sflag:s18], $0x190  }
0x17: {  	[sflag:s18] =	ssyncset.done $0x0  }
0x18: {  	[sflag:s18] =	ssyncadd.s32 $0xFFFFFE70  }
0x19: {  	_ =	swait.ge [sflag:s18], $0x190  }
.Ltmp0:
0x1a: {  	[sflag:s18] =	ssyncset.done $0x0;
	(pc) =	sbr.rel .LBB2_2-.Ltmp0, $4  }
0x1b: {  	s30 =	simm.s32 $0x2D50;
	[sflag:s18] =	ssyncadd.s32 $0xFFFFFE70  }
0x1c: {  	[tilespmem:s30], [sflag:$0x3] =	stream.indirect.gather [hbm4b:s1+s19], $0x40, s0, s19, $0xb8;
	[tilespmem:$0x1BD50] =	vst v63  }
0x1d: {  	s31 =	simm.s32 $0x9150;
	s26 =	simm.s32 $0x0;
	s28 =	simm.s32 $0x0  }
0x1e: {  	[tilespmem:s31], [sflag:$0x3] =	stream.indirect.gather [hbm4b:s1+s19], $0x40, s3, s19, $0xb8;
	[tilespmem:$0x1BD50] =	vst v63  }
.LBB2_8:
0x1f: {  	s28 =	sadd.s32 $0x1, s28  }
0x20: {  	p0 =	sne.s32 s28, $0xD  }
.Ltmp1:
0x21: {  	_ = 	snop;
	(pc) =	sbr.rel @!p0 .LBB2_9-.Ltmp1, $2  }
0x22: {  	_ =	sdelay $0x2  }
0x23: {  	s26 =	sadd.s32 $0x320, s26  }
.LBB2_2:
0x24: {  	s0 =	sshllo.u32 s28, $0x1  }
0x25: {  	p0 =	sgt.u32 s0, $0x18  }
0x26: {  	s0 =	simm.s32 @!p0 $0x2  }
0x27: {  	_ =	swait.ge @!p0 [sflag:s0], $0x190  }
0x28: {  	[sflag:s0] =	ssyncset.done @!p0 $0x0  }
0x29: {  	[sflag:s0] =	ssyncadd.s32 @!p0 $0xFFFFFE70  }
0x2a: {  	_ =	swait.ge @!p0 [sflag:s0], $0x190  }
0x2b: {  	s3 =	simm.s32 @!p0 $0x2A30;
	[sflag:s0] =	ssyncset.done @!p0 $0x0  }
0x2c: {  	s16 =	simm.s32 @!p0 $0xF550;
	[sflag:s0] =	ssyncadd.s32 @!p0 $0xFFFFFE70;
	s0 =	simm.s32 @!p0 $0x190  }
0x2d: {  	[tilespmem:s16], [sflag:$0x4] =	stream.indirect.gather @!p0 [hbm4b:s1+s0], $0x40, s3, s0, $0xb8;
	[tilespmem:$0x1BD50] =	vst v63  }
0x2e: {  	s3 =	simm.s32 @!p0 $0x2BC0;
	s16 =	simm.s32 @!p0 $0x15950  }
0x2f: {  	[tilespmem:s16], [sflag:$0x4] =	stream.indirect.gather @!p0 [hbm4b:s1+s0], $0x40, s3, s0, $0xb8;
	[tilespmem:$0x1BD50] =	vst v63  }
0x30: {  	p1 =	seq.s32 s28, $0xC;
	_ =	swait.ge [sflag:s22], $0x6400  }
0x31: {  	s29 =	smul.u32 @!p1 $0x320, s28;
	[sflag:s22] =	ssyncset.done $0x0  }
0x32: {  	[sflag:s22] =	ssyncadd.s32 $0xFFFF9C00  }
0x33: {  	s0 =	sadd.s32 @!p1 s29, s10;
	_ =	swait.ge [sflag:s22], $0x6400  }
0x34: {  	s17 =	simm.s32 @!p1 $0x2710;
	s0 =	sshrl.u32 @!p1 s0, $0x3;
	[sflag:s22] =	ssyncset.done $0x0  }
0x35: {  	s16 =	simm.s32 @!p1 $0x0;
	s3 =	sadd.s32 @!p1 s2, s0;
	[sflag:s22] =	ssyncadd.s32 $0xFFFF9C00  }
0x36: {  	[tilespmem:s17], [sflag:$0x1] =	stream.linear.gather @!p1 [hbm4b:s3+s16], $0x190, $0x38;
	[tilespmem:$0x1BD50] =	vst v63  }
0x37: {  	s0 =	sadd.s32 @!p1 s4, s0;
	s3 =	simm.s32 @!p1 $0x28A0  }
0x38: {  	[tilespmem:s3], [sflag:$0x1] =	stream.linear.gather @!p1 [hbm4b:s0+s16], $0x190, $0x38;
	[tilespmem:$0x1BD50] =	vst v63  }
0x39: {  	s3 =	simm.s32 $0x2E50  }
0x3a: {  	s30 =	simm.s32 $0x9250;
	v2 =	vld [tilespmem:s3+$0xC0]  }
0x3b: {  	v3 =	vld [tilespmem:s30+$0xC0]  }
0x3c: {  	v4 =	vld [tilespmem:s3+$0xD0]  }
0x3d: {  	v5 =	vld [tilespmem:s30+$0xD0]  }
0x3e: {  	v6 =	vld [tilespmem:s3+$0xE0]  }
0x3f: {  	v7 =	vld [tilespmem:s30+$0xE0]  }
0x40: {  	v8 =	vld [tilespmem:s3+$0xF0]  }
0x41: {  	v9 =	vld [tilespmem:s30+$0xF0]  }
0x42: {  	v10 =	vld [tilespmem:s3+$0xFFFFFF10]  }
0x43: {  	v11 =	vld [tilespmem:s30+$0xFFFFFF10]  }
0x44: {  	v13 =	vld [tilespmem:s30+$0xFFFFFF30];
	v2 =	vmul.bf16 v3, v2  }
0x45: {  	v3 =	vld [tilespmem:s3+$0xFFFFFF20];
	v4 =	vmul.bf16 v5, v4;
	v6 =	vmul.bf16 v7, v6  }
0x46: {  	v5 =	vld [tilespmem:s30+$0xFFFFFF20];
	v7 =	vmul.bf16 v9, v8;
	v12 =	vunpack.i.u.bf16.f32 v2;
	v2 =	vunpack.i.l.bf16.f32 v2  }
0x47: {  	v8 =	vld [tilespmem:s3+$0xFFFFFF30];
	v9 =	vunpack.i.u.bf16.f32 v4;
	v4 =	vunpack.i.l.bf16.f32 v4;
	v14 =	vunpack.i.u.bf16.f32 v6  }
0x48: {  	v16 =	vld [tilespmem:s3+$0xFFFFFF40];
	v6 =	vunpack.i.l.bf16.f32 v6;
	v15 =	vunpack.i.u.bf16.f32 v7;
	v7 =	vunpack.i.l.bf16.f32 v7  }
0x49: {  	v2 =	vadd.f32 v2, v12;
	v4 =	vadd.f32 v4, v9;
	v9 =	vmul.bf16 v11, v10;
	v10 =	vld [tilespmem:s30+$0xFFFFFF40]  }
0x4a: {  	v6 =	vadd.f32 v6, v14;
	v7 =	vadd.f32 v7, v15;
	v12 =	vld [tilespmem:s30+$0xFFFFFF50]  }
0x4b: {  	v3 =	vmul.bf16 v5, v3;
	v5 =	vld [tilespmem:s3+$0xFFFFFF50];
	v11 =	vunpack.i.u.bf16.f32 v9;
	v4 =	vadd.f32 v4, v2  }
0x4c: {  	v6 =	vadd.f32 v7, v6;
	v2 =	vunpack.i.l.bf16.f32 v9;
	v8 =	vmul.bf16 v13, v8;
	v9 =	vld [tilespmem:s3+$0xFFFFFF60]  }
0x4d: {  	s29 =	simm.s32 @p1 $0x2580;
	v2 =	vadd.f32 v2, v11;
	v11 =	vld [tilespmem:s30+$0xFFFFFF60];
	v7 =	vunpack.i.u.bf16.f32 v3;
	v3 =	vunpack.i.l.bf16.f32 v3  }
0x4e: {  	s0 =	sadd.s32 $0xFFFFFFF8, s29;
	v13 =	vld [tilespmem:s3+$0xFFFFFF70];
	v4 =	vadd.f32 v6, v4;
	v6 =	vunpack.i.u.bf16.f32 v8;
	v8 =	vunpack.i.l.bf16.f32 v8  }
0x4f: {  	s20 =	sadd.s32 $0xF, s0;
	v10 =	vmul.bf16 v10, v16;
	v3 =	vadd.f32 v3, v7;
	v6 =	vadd.f32 v8, v6;
	v7 =	vld [tilespmem:s30+$0xFFFFFF70]  }
0x50: {  	v14 =	vmov s20;
	v5 =	vmul.bf16 v12, v5;
	v12 =	vld [tilespmem:s3+$0xFFFFFF80]  }
0x51: {  	v8 =	vunpack.i.u.bf16.f32 v10;
	v3 =	vadd.f32 v6, v3;
	v6 =	vunpack.i.l.bf16.f32 v10;
	v10 =	vld [tilespmem:s30+$0xFFFFFF80]  }
0x52: {  	v14 =	vshrl.u32 v14, $0x3;
	v9 =	vmul.bf16 v11, v9;
	v11 =	vld [tilespmem:s3+$0xFFFFFF90]  }
0x53: {  	v14 =	vshll.u32 v14, v0;
	v6 =	vadd.f32 v6, v8;
	v8 =	vld [tilespmem:s30+$0xFFFFFF90];
	v15 =	vunpack.i.u.bf16.f32 v5  }
0x54: {  	v17 =	vld [tilespmem:s30+$0xFFFFFFA0];
	v16 =	vunpack.i.l.bf16.f32 v5;
	v5 =	vadd.s32 $0x7, v14;
	v14 =	vunpack.i.u.bf16.f32 v9  }
0x55: {  	v7 =	vmul.bf16 v7, v13;
	v13 =	vld [tilespmem:s3+$0xFFFFFFA0];
	v9 =	vunpack.i.l.bf16.f32 v9;
	v15 =	vadd.f32 v16, v15  }
0x56: {  	v9 =	vadd.f32 v9, v14;
	v14 =	vld [tilespmem:s30+$0xFFFFFFB0];
	v10 =	vmul.bf16 v10, v12  }
0x57: {  	v18 =	vunpack.i.u.bf16.f32 v7;
	v7 =	vunpack.i.l.bf16.f32 v7;
	v12 =	vld [tilespmem:s3+$0xFFFFFFB0];
	v6 =	vadd.f32 v15, v6  }
0x58: {  	v15 =	vld [tilespmem:s30+$0xFFFFFFC0];
	v8 =	vmul.bf16 v8, v11;
	v19 =	vunpack.i.u.bf16.f32 v10;
	v10 =	vunpack.i.l.bf16.f32 v10  }
0x59: {  	v5 =	vbroadcast v5, $0x0;
	v7 =	vadd.f32 v7, v18;
	v11 =	vld [tilespmem:s3+$0xFFFFFFC0];
	v10 =	vadd.f32 v10, v19  }
0x5a: {  	s21 =	sadd.s32 $0x9, s0;
	v20 =	vunpack.i.u.bf16.f32 v8;
	v8 =	vunpack.i.l.bf16.f32 v8;
	v13 =	vmul.bf16 v17, v13;
	v17 =	vld [tilespmem:s3+$0xFFFFFFD0]  }
0x5b: {  	v16 =	vmov s21;
	v7 =	vadd.f32 v7, v9;
	v9 =	vld [tilespmem:s30+$0xFFFFFFD0];
	v8 =	vadd.f32 v8, v20  }
0x5c: {  	s14 =	sadd.s32 $0xA, s0;
	v21 =	vunpack.i.u.bf16.f32 v13;
	v13 =	vunpack.i.l.bf16.f32 v13;
	v12 =	vmul.bf16 v14, v12;
	v14 =	vld [tilespmem:s3+$0xFFFFFFE0]  }
0x5d: {  	v18 =	vmov s14;
	v8 =	vadd.f32 v8, v10;
	v10 =	vadd.f32 v13, v21;
	v13 =	vld [tilespmem:s30+$0xFFFFFFE0]  }
0x5e: {  	s15 =	sadd.s32 $0xB, s0;
	v11 =	vmul.bf16 v15, v11;
	v15 =	vld [tilespmem:s3+$0xFFFFFFF0];
	v22 =	vunpack.i.u.bf16.f32 v12;
	v12 =	vunpack.i.l.bf16.f32 v12  }
0x5f: {  	v19 =	vmov s15;
	v6 =	vadd.f32 v7, v6;
	v7 =	vadd.f32 v12, v22;
	v12 =	vld [tilespmem:s30+$0xFFFFFFF0]  }
0x60: {  	s17 =	sadd.s32 $0xC, s0;
	v23 =	vunpack.i.u.bf16.f32 v11;
	v11 =	vunpack.i.l.bf16.f32 v11;
	v9 =	vmul.bf16 v9, v17;
	v17 =	vld [tilespmem:s3+$0x0]  }
0x61: {  	v20 =	vmov s17;
	v7 =	vadd.f32 v7, v10;
	v10 =	vadd.f32 v11, v23;
	v11 =	vld [tilespmem:s30+$0x0]  }
0x62: {  	v23 =	vunpack.i.u.bf16.f32 v9;
	v9 =	vunpack.i.l.bf16.f32 v9;
	v13 =	vmul.bf16 v13, v14;
	v14 =	vld [tilespmem:s3+$0x10]  }
0x63: {  	v9 =	vadd.f32 v9, v23;
	v7 =	vadd.f32 v7, v8;
	v8 =	vshrl.u32 v18, $0x3;
	v18 =	vld [tilespmem:s30+$0x10]  }
0x64: {  	v23 =	vunpack.i.u.bf16.f32 v13;
	v13 =	vunpack.i.l.bf16.f32 v13;
	v12 =	vmul.bf16 v12, v15;
	v15 =	vld [tilespmem:s3+$0x20]  }
0x65: {  	v9 =	vadd.f32 v9, v10;
	v10 =	vadd.f32 v13, v23;
	v13 =	vshrl.u32 v19, $0x3;
	v19 =	vld [tilespmem:s30+$0x20]  }
0x66: {  	v23 =	vunpack.i.u.bf16.f32 v12;
	v12 =	vunpack.i.l.bf16.f32 v12;
	v11 =	vmul.bf16 v11, v17;
	v17 =	vld [tilespmem:s3+$0x30]  }
0x67: {  	v16 =	vshrl.u32 v16, $0x3;
	v20 =	vshrl.u32 v20, $0x3;
	v12 =	vadd.f32 v12, v23;
	v23 =	vld [tilespmem:s30+$0x30]  }
0x68: {  	s20 =	sadd.s32 $0xD, s0;
	v24 =	vunpack.i.u.bf16.f32 v11;
	v11 =	vunpack.i.l.bf16.f32 v11;
	v14 =	vmul.bf16 v18, v14;
	v18 =	vld [tilespmem:s3+$0x40]  }
0x69: {  	(xrf2) =	vadd.scan.msk.f32 $0xffff, v4;
	v21 =	vmov s20;
	v10 =	vadd.f32 v12, v10;
	v11 =	vadd.f32 v11, v24;
	v12 =	vld [tilespmem:s30+$0x40]  }
0x6a: {  	(xrf2) =	vadd.scan.msk.f32 $0xffff, v6;
	v24 =	vunpack.i.u.bf16.f32 v14;
	v14 =	vunpack.i.l.bf16.f32 v14;
	v15 =	vmul.bf16 v19, v15;
	v19 =	vld [tilespmem:s3+$0x50]  }
0x6b: {  	(xrf2) =	vadd.scan.msk.f32 $0xffff, v7;
	v7 =	vshll.u32 v13, v0;
	v4 =	vadd.f32 v10, v9;
	v9 =	vadd.f32 v14, v24;
	v14 =	vld [tilespmem:s30+$0x50]  }
0x6c: {  	s21 =	sadd.s32 $0xE, s0;
	v13 =	vld [tilespmem:s30+$0x70];
	v6 =	vunpack.i.u.bf16.f32 v15;
	v10 =	vunpack.i.l.bf16.f32 v15;
	v15 =	vmul.bf16 v23, v17  }
0x6d: {  	v21 =	vshrl.u32 v21, $0x3;
	v22 =	vmov s21;
	v17 =	vld [tilespmem:s3+$0x60];
	v23 =	vshll.u32 v16, v0  }
0x6e: {  	v9 =	vadd.f32 v9, v11;
	v11 =	vld [tilespmem:s30+$0x60];
	(xrf2) =	vadd.scan.msk.f32 $0xffff, v4;
	v4 =	vunpack.i.u.bf16.f32 v15;
	v15 =	vunpack.i.l.bf16.f32 v15  }
0x6f: {  	v16 =	vld [tilespmem:s3+$0x70];
	v6 =	vadd.f32 v10, v6;
	v12 =	vmul.bf16 v12, v18;
	v4 =	vadd.f32 v15, v4  }
0x70: {  	v1 =	vld [tilespmem:s30+$0xFFFFFF00];
	v10 =	vshll.u32 v8, v0;
	v8 =	vshll.u32 v20, v0;
	v14 =	vmul.bf16 v14, v19  }
0x71: {  	v15 =	vunpack.i.u.bf16.f32 v12;
	v12 =	vunpack.i.l.bf16.f32 v12;
	v19 =	vld [tilespmem:s3+$0x80];
	v4 =	vadd.f32 v4, v6  }
0x72: {  	v6 =	vadd.f32 v12, v15;
	v12 =	vld [tilespmem:s30+$0x80];
	v15 =	vunpack.i.u.bf16.f32 v14;
	v14 =	vunpack.i.l.bf16.f32 v14  }
0x73: {  	v26 =	vld [tilespmem:s3+$0x90];
	s0 =	sadd.s32 $0x8, s0;
	v11 =	vmul.bf16 v11, v17;
	v20 =	vadd.f32 v4, v9;
	v4 =	vadd.f32 v14, v15  }
0x74: {  	v27 =	vld [tilespmem:s30+$0x90];
	v25 =	vmov s0;
	v22 =	vshrl.u32 v22, $0x3;
	v13 =	vmul.bf16 v13, v16  }
0x75: {  	v9 =	vshll.u32 v21, v0;
	v15 =	vld [tilespmem:s3+$0xA0];
	v17 =	vunpack.i.u.bf16.f32 v11;
	v11 =	vunpack.i.l.bf16.f32 v11  }
0x76: {  	v21, _, _ =	vpop (xrf2);
	v14 =	vadd.f32 v4, v6;
	v18 =	vadd.f32 v11, v17;
	v17 =	vld [tilespmem:s30+$0xA0];
	v6 =	vunpack.i.u.bf16.f32 v13;
	(xrf2) =	vadd.scan.msk.f32 $0xffff, v20  }
0x77: {  	v16 =	vld [tilespmem:s3+$0xB0];
	v11 =	vshll.u32 v22, v0;
	v22 =	vunpack.i.l.bf16.f32 v13;
	v24 =	vmul.bf16 v12, v19;
	v4, _, _ =	vpop (xrf2)  }
0x78: {  	[tilespmem:v5+s5+$0x0] =	vst.idx.msk vm0, v21;
	v13 =	vadd.s32 $0x1, v23;
	v12 =	vshrl.u32 v25, $0x3;
	v21 =	vadd.f32 v22, v6;
	v19 =	vld [tilespmem:s30+$0xB0];
	v5, _, _ =	vpop (xrf2)  }
0x79: {  	s31 =	simm.s32 $0x0;
	v20 =	vld [tilespmem:s3+$0xFFFFFF00];
	s3 =	simm.s32 $0x3050;
	v22 =	vmul.bf16 v27, v26;
	v23 =	vunpack.i.u.bf16.f32 v24;
	v24 =	vunpack.i.l.bf16.f32 v24;
	v6, _, _ =	vpop (xrf2)  }
.LBB2_3:
0x7a: {  	v25 =	vld [tilespmem:s3+$0xC0];
	v10 =	vadd.s32 $0x2, v10;
	v18 =	vadd.f32 v21, v18;
	v21 =	vadd.f32 v24, v23;
	s30 =	sadd.s32 $0x200, s30;
	s0 =	smov.u32 s31  }
0x7b: {  	v23 =	vld [tilespmem:s30+$0xC0];
	v24 =	vunpack.i.u.bf16.f32 v22;
	v22 =	vunpack.i.l.bf16.f32 v22;
	v15 =	vmul.bf16 v17, v15  }
0x7c: {  	v7 =	vadd.s32 $0x3, v7;
	v17 =	vld [tilespmem:s3+$0xD0];
	v14 =	vadd.f32 v18, v14;
	v18 =	vadd.f32 v22, v24  }
0x7d: {  	v22 =	vld [tilespmem:s30+$0xD0];
	v24 =	vunpack.i.u.bf16.f32 v15;
	v15 =	vunpack.i.l.bf16.f32 v15;
	v16 =	vmul.bf16 v19, v16  }
0x7e: {  	v19 =	vld [tilespmem:s3+$0xE0];
	v1 =	vmul.bf16 v1, v20;
	v18 =	vadd.f32 v18, v21;
	v15 =	vadd.f32 v15, v24;
	(xrf2) =	vadd.scan.msk.f32 $0xffff, v14  }
0x7f: {  	v8 =	vadd.s32 $0x4, v8;
	v14 =	vld [tilespmem:s30+$0xE0];
	v26 =	vunpack.i.u.bf16.f32 v16;
	v16 =	vunpack.i.l.bf16.f32 v16  }
0x80: {  	v21 =	vld [tilespmem:s3+$0xF0];
	v24 =	vunpack.i.u.bf16.f32 v1;
	v1 =	vunpack.i.l.bf16.f32 v1;
	v16 =	vadd.f32 v16, v26;
	v20, _, _ =	vpop (xrf2)  }
0x81: {  	v9 =	vadd.s32 $0x5, v9;
	v11 =	vadd.s32 $0x6, v11;
	v26 =	vld [tilespmem:s30+$0xF0];
	v24 =	vadd.f32 v1, v24  }
0x82: {  	s31 =	sadd.s32 $0x8, s31;
	v12 =	vshll.u32 v12, v0;
	v13 =	vbroadcast v13, $0x0;
	v1 =	vld [tilespmem:s30+$0xFFFFFF00];
	v15 =	vadd.f32 v16, v15  }
0x83: {  	p2 =	slt.u32 s31, $0x188;
	v10 =	vbroadcast v10, $0x0;
	v7 =	vbroadcast v7, $0x0;
	v16 =	vld [tilespmem:s3+$0xFFFFFF10];
	v2 =	vadd.f32 v2, v24  }
0x84: {  	v8 =	vbroadcast v8, $0x0;
	v23 =	vmul.bf16 v23, v25;
	v24 =	vld [tilespmem:s30+$0xFFFFFF10];
	v15 =	vadd.f32 v15, v18  }
0x85: {  	v17 =	vmul.bf16 v22, v17;
	v18 =	vld [tilespmem:s3+$0xFFFFFF20];
	v2 =	vadd.f32 v3, v2;
	v3 =	vbroadcast v9, $0x0  }
0x86: {  	v22 =	vunpack.i.u.bf16.f32 v23;
	v14 =	vmul.bf16 v14, v19;
	v9 =	vld [tilespmem:s30+$0xFFFFFF20];
	v19 =	vmul.bf16 v26, v21  }
0x87: {  	v23 =	vunpack.i.l.bf16.f32 v23;
	v25 =	vunpack.i.u.bf16.f32 v17;
	v17 =	vunpack.i.l.bf16.f32 v17;
	v21 =	vld [tilespmem:s3+$0xFFFFFF30];
	(xrf2) =	vadd.scan.msk.f32 $0xffff, v2  }
0x88: {  	v26 =	vunpack.i.u.bf16.f32 v14;
	v14 =	vunpack.i.l.bf16.f32 v14;
	v2 =	vld [tilespmem:s30+$0xFFFFFF30];
	v27 =	vunpack.i.u.bf16.f32 v19;
	[tilespmem:v13+s5+$0x0] =	vst.idx.msk vm0, v4;
	v4, _, _ =	vpop (xrf2)  }
0x89: {  	v22 =	vadd.f32 v23, v22;
	v17 =	vadd.f32 v17, v25;
	v19 =	vunpack.i.l.bf16.f32 v19;
	v13 =	vld [tilespmem:s3+$0xFFFFFF40];
	[tilespmem:v10+s5+$0x0] =	vst.idx.msk vm0, v5  }
0x8a: {  	v14 =	vadd.f32 v14, v26;
	v5 =	vmul.bf16 v24, v16;
	v16 =	vadd.f32 v19, v27;
	v10 =	vld [tilespmem:s30+$0xFFFFFF40];
	(xrf2) =	vadd.scan.msk.f32 $0xffff, v15  }
0x8b: {  	v9 =	vmul.bf16 v9, v18;
	v15 =	vld [tilespmem:s3+$0xFFFFFF50];
	[tilespmem:v7+s5+$0x0] =	vst.idx.msk vm0, v6;
	v6 =	vbroadcast v11, $0x0  }
0x8c: {  	v17 =	vadd.f32 v17, v22;
	v7 =	vunpack.i.u.bf16.f32 v5;
	v14 =	vadd.f32 v16, v14;
	v11 =	vld [tilespmem:s30+$0xFFFFFF50];
	[tilespmem:v8+s5+$0x0] =	vst.idx.msk vm0, v20  }
0x8d: {  	v5 =	vunpack.i.l.bf16.f32 v5;
	v8 =	vunpack.i.u.bf16.f32 v9;
	v16 =	vmul.bf16 v2, v21;
	v18 =	vld [tilespmem:s3+$0xFFFFFF60];
	[tilespmem:v3+s5+$0x0] =	vst.idx.msk vm0, v4  }
0x8e: {  	v3 =	vunpack.i.l.bf16.f32 v9;
	v2 =	vadd.f32 v5, v7;
	v5 =	vadd.f32 v14, v17;
	v4 =	vld [tilespmem:s30+$0xFFFFFF60]  }
0x8f: {  	s16 =	sadd.s32 s0, s29;
	v7 =	vunpack.i.u.bf16.f32 v16;
	v9 =	vunpack.i.l.bf16.f32 v16;
	v10 =	vmul.bf16 v10, v13;
	v13 =	vld [tilespmem:s3+$0xFFFFFF70]  }
0x90: {  	s21 =	sadd.s32 $0x9, s16;
	s14 =	sadd.s32 $0xA, s16;
	s0 =	sadd.s32 $0xF, s16;
	v3 =	vadd.f32 v3, v8;
	v7 =	vadd.f32 v9, v7;
	v8 =	vld [tilespmem:s30+$0xFFFFFF70];
	(xrf2) =	vadd.scan.msk.f32 $0xffff, v5;
	v5 =	vbroadcast v12, $0x0  }
0x91: {  	s15 =	sadd.s32 $0xB, s16;
	s20 =	sadd.s32 $0xC, s16;
	s17 =	sadd.s32 $0xD, s16;
	v14 =	vmov s0;
	v9 =	vunpack.i.u.bf16.f32 v10;
	v11 =	vmul.bf16 v11, v15;
	v12 =	vld [tilespmem:s3+$0xFFFFFF80];
	v15, _, _ =	vpop (xrf2)  }
0x92: {  	s0 =	sadd.s32 $0x8, s16;
	s16 =	sadd.s32 $0xE, s16;
	v14 =	vshrl.u32 v14, $0x3;
	v3 =	vadd.f32 v7, v3;
	v7 =	vunpack.i.l.bf16.f32 v10;
	v10 =	vld [tilespmem:s30+$0xFFFFFF80]  }
0x93: {  	v14 =	vshll.u32 v14, v0;
	v16 =	vunpack.i.u.bf16.f32 v11;
	v4 =	vmul.bf16 v4, v18;
	v17 =	vld [tilespmem:s3+$0xFFFFFF90]  }
0x94: {  	v14 =	vadd.s32 $0x7, v14;
	v11 =	vunpack.i.l.bf16.f32 v11;
	v7 =	vadd.f32 v7, v9;
	v9 =	vld [tilespmem:s30+$0xFFFFFF90];
	v18, _, _ =	vpop (xrf2)  }
0x95: {  	v14 =	vbroadcast v14, $0x0;
	v19 =	vunpack.i.u.bf16.f32 v4;
	v8 =	vmul.bf16 v8, v13;
	v13 =	vld [tilespmem:s3+$0xFFFFFFA0];
	[tilespmem:v6+s5+$0x0] =	vst.idx.msk vm0, v18  }
0x96: {  	v4 =	vunpack.i.l.bf16.f32 v4;
	v6 =	vadd.f32 v11, v16;
	v11 =	vmov s21;
	v16 =	vld [tilespmem:s30+$0xFFFFFFA0];
	[tilespmem:v5+s5+$0x0] =	vst.idx.msk vm0, v15  }
0x97: {  	v5 =	vunpack.i.u.bf16.f32 v8;
	v8 =	vunpack.i.l.bf16.f32 v8;
	v10 =	vmul.bf16 v10, v12;
	v12 =	vld [tilespmem:s3+$0xFFFFFFB0]  }
0x98: {  	v4 =	vadd.f32 v4, v19;
	v15 =	vmov s14;
	v5 =	vadd.f32 v8, v5;
	v8 =	vld [tilespmem:s30+$0xFFFFFFB0]  }
0x99: {  	v18 =	vunpack.i.u.bf16.f32 v10;
	v10 =	vunpack.i.l.bf16.f32 v10;
	v9 =	vmul.bf16 v9, v17;
	v17 =	vld [tilespmem:s3+$0xFFFFFFC0]  }
0x9a: {  	v6 =	vadd.f32 v6, v7;
	v7 =	vadd.f32 v10, v18;
	v10 =	vld [tilespmem:s30+$0xFFFFFFC0];
	v18 =	vmov s15;
	v19, _, _ =	vpop (xrf2)  }
0x9b: {  	v20 =	vunpack.i.u.bf16.f32 v9;
	v9 =	vunpack.i.l.bf16.f32 v9;
	v13 =	vmul.bf16 v16, v13;
	v16 =	vld [tilespmem:s3+$0xFFFFFFD0];
	[tilespmem:v14+s5+$0x0] =	vst.idx.msk vm0, v19  }
0x9c: {  	v4 =	vadd.f32 v5, v4;
	v14 =	vmov s20;
	v5 =	vadd.f32 v9, v20;
	v9 =	vld [tilespmem:s30+$0xFFFFFFD0]  }
0x9d: {  	v19 =	vunpack.i.u.bf16.f32 v13;
	v13 =	vunpack.i.l.bf16.f32 v13;
	v8 =	vmul.bf16 v8, v12;
	v12 =	vld [tilespmem:s3+$0xFFFFFFE0]  }
0x9e: {  	v5 =	vadd.f32 v5, v7;
	v7 =	vadd.f32 v13, v19;
	v13 =	vld [tilespmem:s30+$0xFFFFFFE0];
	v19 =	vmov s17  }
0x9f: {  	v20 =	vunpack.i.u.bf16.f32 v8;
	v8 =	vunpack.i.l.bf16.f32 v8;
	v10 =	vmul.bf16 v10, v17;
	v17 =	vld [tilespmem:s3+$0xFFFFFFF0]  }
0xa0: {  	v4 =	vadd.f32 v4, v6;
	v6 =	vadd.f32 v8, v20;
	v8 =	vld [tilespmem:s30+$0xFFFFFFF0];
	v20 =	vmov s16  }
0xa1: {  	v21 =	vunpack.i.u.bf16.f32 v10;
	v10 =	vunpack.i.l.bf16.f32 v10;
	v9 =	vmul.bf16 v9, v16;
	v16 =	vld [tilespmem:s3+$0x0]  }
0xa2: {  	v11 =	vshrl.u32 v11, $0x3;
	v6 =	vadd.f32 v6, v7;
	v7 =	vadd.f32 v10, v21;
	v10 =	vld [tilespmem:s30+$0x0];
	(xrf2) =	vadd.scan.msk.f32 $0xffff, v4  }
0xa3: {  	v4 =	vunpack.i.u.bf16.f32 v9;
	v9 =	vunpack.i.l.bf16.f32 v9;
	v12 =	vmul.bf16 v13, v12;
	v13 =	vld [tilespmem:s3+$0x10]  }
0xa4: {  	v5 =	vadd.f32 v6, v5;
	v6 =	vshrl.u32 v15, $0x3;
	v4 =	vadd.f32 v9, v4;
	v9 =	vld [tilespmem:s30+$0x10]  }
0xa5: {  	v15 =	vunpack.i.u.bf16.f32 v12;
	v12 =	vunpack.i.l.bf16.f32 v12;
	v8 =	vmul.bf16 v8, v17;
	v17 =	vld [tilespmem:s3+$0x20]  }
0xa6: {  	v4 =	vadd.f32 v4, v7;
	v7 =	vadd.f32 v12, v15;
	v12 =	vshrl.u32 v18, $0x3;
	v15 =	vld [tilespmem:s30+$0x20];
	(xrf2) =	vadd.scan.msk.f32 $0xffff, v5  }
0xa7: {  	v5 =	vunpack.i.u.bf16.f32 v8;
	v8 =	vunpack.i.l.bf16.f32 v8;
	v10 =	vmul.bf16 v10, v16;
	v16 =	vld [tilespmem:s3+$0x30]  }
0xa8: {  	v14 =	vshrl.u32 v14, $0x3;
	v18 =	vshrl.u32 v19, $0x3;
	v5 =	vadd.f32 v8, v5;
	v8 =	vld [tilespmem:s30+$0x30]  }
0xa9: {  	v19 =	vunpack.i.u.bf16.f32 v10;
	v10 =	vunpack.i.l.bf16.f32 v10;
	v9 =	vmul.bf16 v9, v13;
	v13 =	vld [tilespmem:s3+$0x40]  }
0xaa: {  	v5 =	vadd.f32 v5, v7;
	v7 =	vadd.f32 v10, v19;
	v10 =	vld [tilespmem:s30+$0x40];
	v19 =	vshrl.u32 v20, $0x3  }
0xab: {  	v20 =	vunpack.i.u.bf16.f32 v9;
	v9 =	vunpack.i.l.bf16.f32 v9;
	v15 =	vmul.bf16 v15, v17;
	v17 =	vld [tilespmem:s3+$0x50]  }
0xac: {  	v21 =	vmov s0;
	v5 =	vadd.f32 v5, v4;
	v9 =	vadd.f32 v9, v20;
	v20 =	vld [tilespmem:s30+$0x50];
	v4, _, _ =	vpop (xrf2)  }
0xad: {  	v22 =	vunpack.i.u.bf16.f32 v15;
	v15 =	vunpack.i.l.bf16.f32 v15;
	v8 =	vmul.bf16 v8, v16;
	v16 =	vld [tilespmem:s3+$0x60]  }
0xae: {  	v23 =	vshll.u32 v11, v0;
	v9 =	vadd.f32 v9, v7;
	v11 =	vadd.f32 v15, v22;
	v15 =	vld [tilespmem:s30+$0x60];
	(xrf2) =	vadd.scan.msk.f32 $0xffff, v5  }
0xaf: {  	v24 =	vunpack.i.u.bf16.f32 v8;
	v8 =	vunpack.i.l.bf16.f32 v8;
	v13 =	vmul.bf16 v10, v13;
	v22 =	vld [tilespmem:s3+$0x70]  }
0xb0: {  	v7 =	vshll.u32 v12, v0;
	v10 =	vshll.u32 v6, v0;
	v6 =	vadd.f32 v8, v24;
	v12 =	vld [tilespmem:s30+$0x70];
	v5, _, _ =	vpop (xrf2)  }
0xb1: {  	v24 =	vunpack.i.u.bf16.f32 v13;
	v13 =	vunpack.i.l.bf16.f32 v13;
	v17 =	vmul.bf16 v20, v17;
	v20 =	vld [tilespmem:s3+$0x80]  }
0xb2: {  	v8 =	vshll.u32 v14, v0;
	v6 =	vadd.f32 v6, v11;
	v11 =	vadd.f32 v13, v24;
	v13 =	vld [tilespmem:s30+$0x80]  }
0xb3: {  	v14 =	vunpack.i.u.bf16.f32 v17;
	v17 =	vunpack.i.l.bf16.f32 v17;
	v15 =	vmul.bf16 v15, v16;
	v25 =	vld [tilespmem:s3+$0x90]  }
0xb4: {  	v6 =	vadd.f32 v6, v9;
	v14 =	vadd.f32 v17, v14;
	v9 =	vshll.u32 v18, v0;
	v26 =	vld [tilespmem:s30+$0x90]  }
.Ltmp2:
0xb5: {  	v16 =	vunpack.i.u.bf16.f32 v15;
	v17 =	vunpack.i.l.bf16.f32 v15;
	v12 =	vmul.bf16 v12, v22;
	v15 =	vld [tilespmem:s3+$0xA0];
	(pc) =	sbr.rel @p2 .LBB2_3-.Ltmp2, $4  }
0xb6: {  	v14 =	vadd.f32 v14, v11;
	v18 =	vadd.f32 v17, v16;
	v17 =	vld [tilespmem:s30+$0xA0];
	v11 =	vshll.u32 v19, v0;
	(xrf2) =	vadd.scan.msk.f32 $0xffff, v6  }
0xb7: {  	v24 =	vunpack.i.u.bf16.f32 v12;
	v19 =	vunpack.i.l.bf16.f32 v12;
	v22 =	vmul.bf16 v13, v20;
	v16 =	vld [tilespmem:s3+$0xB0]  }
0xb8: {  	v12 =	vshrl.u32 v21, $0x3;
	v13 =	vadd.s32 $0x1, v23;
	v21 =	vadd.f32 v19, v24;
	v19 =	vld [tilespmem:s30+$0xB0];
	v6, _, _ =	vpop (xrf2)  }
0xb9: {  	v20 =	vld [tilespmem:s3+$0xFFFFFF00];
	v23 =	vunpack.i.u.bf16.f32 v22;
	v24 =	vunpack.i.l.bf16.f32 v22;
	v22 =	vmul.bf16 v26, v25;
	s3 =	sadd.s32 $0x200, s3  }
0xba: {  	_ =	sdelay $0x2  }
0xbb: {  	v18 =	vadd.f32 v21, v18;
	v53 =	vadd.f32 v24, v23;
	v15 =	vmul.bf16 v17, v15  }
0xbc: {  	v54 =	vunpack.i.u.bf16.f32 v22;
	v55 =	vunpack.i.l.bf16.f32 v22;
	v1 =	vmul.bf16 v1, v20  }
0xbd: {  	v17 =	vadd.f32 v55, v54;
	v56 =	vunpack.i.u.bf16.f32 v15;
	v16 =	vmul.bf16 v19, v16  }
0xbe: {  	v15 =	vunpack.i.l.bf16.f32 v15;
	v57 =	vunpack.i.u.bf16.f32 v1;
	v1 =	vunpack.i.l.bf16.f32 v1  }
0xbf: {  	v58 =	vunpack.i.u.bf16.f32 v16;
	v16 =	vunpack.i.l.bf16.f32 v16;
	v1 =	vadd.f32 v1, v57  }
0xc0: {  	v15 =	vadd.f32 v15, v56;
	v16 =	vadd.f32 v16, v58  }
0xc1: {  	v14 =	vadd.f32 v18, v14;
	v1 =	vadd.f32 v2, v1  }
0xc2: {  	v15 =	vadd.f32 v16, v15;
	v2 =	vadd.f32 v17, v53  }
0xc3: {  	v1 =	vadd.f32 v3, v1  }
0xc4: {  	(xrf2) =	vadd.scan.msk.f32 $0xffff, v14;
	v2 =	vadd.f32 v15, v2;
	v3 =	vbroadcast v13, $0x0  }
0xc5: {  	(xrf2) =	vadd.scan.msk.f32 $0xffff, v1;
	v1 =	vadd.s32 $0x2, v10  }
0xc6: {  	v59 =	vadd.s32 $0x4, v8;
	(xrf2) =	vadd.scan.msk.f32 $0xffff, v2;
	v1 =	vbroadcast v1, $0x0  }
0xc7: {  	v2 =	vadd.s32 $0x3, v7;
	v7 =	vbroadcast v59, $0x0  }
0xc8: {  	v60 =	vadd.s32 $0x5, v9;
	v2 =	vbroadcast v2, $0x0  }
0xc9: {  	v62 =	vshll.u32 v12, v0;
	v8 =	vbroadcast v60, $0x0  }
0xca: {  	v61 =	vadd.s32 $0x6, v11;
	[tilespmem:v3+s5+$0x0] =	vst.idx.msk vm0, v4;
	v3 =	vbroadcast v62, $0x0  }
0xcb: {  	v9 =	vbroadcast v61, $0x0  }
0xcc: {  	v63, _, _ =	vpop (xrf2);
	[tilespmem:v1+s5+$0x0] =	vst.idx.msk vm0, v5  }
0xcd: {  	[tilespmem:v7+s5+$0x0] =	vst.idx.msk vm0, v63  }
0xce: {  	v1, _, _ =	vpop (xrf2);
	[tilespmem:v2+s5+$0x0] =	vst.idx.msk vm0, v6  }
0xcf: {  	[tilespmem:v8+s5+$0x0] =	vst.idx.msk vm0, v1;
	v2, _, _ =	vpop (xrf2)  }
0xd0: {  	v1, _, _ =	vpop (xrf2);
	[tilespmem:v3+s5+$0x0] =	vst.idx.msk vm0, v2  }
0xd1: {  	s0 =	simm.s32 @!p1 $0x1;
	[tilespmem:v9+s5+$0x0] =	vst.idx.msk vm0, v1  }
0xd2: {  	_ =	swait.ge @!p1 [sflag:s0], $0x190  }
0xd3: {  	[sflag:s0] =	ssyncset.done @!p1 $0x0  }
0xd4: {  	[sflag:s0] =	ssyncadd.s32 @!p1 $0xFFFFFE70  }
0xd5: {  	_ =	swait.ge @!p1 [sflag:s0], $0x190  }
.Ltmp3:
0xd6: {  	s3 =	simm.s32 @!p1 $0x2710;
	[sflag:s0] =	ssyncset.done @!p1 $0x0;
	(pc) =	sbr.rel @p0 .LBB2_8-.Ltmp3, $4  }
0xd7: {  	s14 =	simm.s32 @!p1 $0x2D50;
	[sflag:s0] =	ssyncadd.s32 @!p1 $0xFFFFFE70;
	s0 =	simm.s32 @!p1 $0x190  }
0xd8: {  	[tilespmem:s14], [sflag:$0x3] =	stream.indirect.gather @!p1 [hbm4b:s1+s0], $0x40, s3, s0, $0xb8;
	[tilespmem:$0x1BD50] =	vst v63  }
0xd9: {  	s3 =	simm.s32 @!p1 $0x28A0;
	s14 =	simm.s32 @!p1 $0x9150  }
0xda: {  	[tilespmem:s14], [sflag:$0x3] =	stream.indirect.gather @!p1 [hbm4b:s1+s0], $0x40, s3, s0, $0xb8;
	[tilespmem:$0x1BD50] =	vst v63  }
0xdb: {  	_ =	swait.ge [sflag:s23], $0x6400  }
0xdc: {  	[sflag:s23] =	ssyncset.done $0x0  }
0xdd: {  	p0 =	sgt.u32 s28, $0xA;
	[sflag:s23] =	ssyncadd.s32 $0xFFFF9C00  }
0xde: {  	s0 =	sadd.s32 @!p0 s29, s11;
	_ =	swait.ge [sflag:s23], $0x6400  }
0xdf: {  	s14 =	simm.s32 @!p0 $0x0;
	s0 =	sshrl.u32 @!p0 s0, $0x3;
	[sflag:s23] =	ssyncset.done $0x0  }
0xe0: {  	s15 =	simm.s32 @!p0 $0x2A30;
	s3 =	sadd.s32 @!p0 s2, s0;
	[sflag:s23] =	ssyncadd.s32 $0xFFFF9C00  }
0xe1: {  	[tilespmem:s15], [sflag:$0x2] =	stream.linear.gather @!p0 [hbm4b:s3+s14], $0x190, $0x38;
	[tilespmem:$0x1BD50] =	vst v63  }
0xe2: {  	s0 =	sadd.s32 @!p0 s4, s0;
	s3 =	simm.s32 @!p0 $0x2BC0  }
0xe3: {  	[tilespmem:s3], [sflag:$0x2] =	stream.linear.gather @!p0 [hbm4b:s0+s14], $0x190, $0x38;
	[tilespmem:$0x1BD50] =	vst v63  }
0xe4: {  	s3 =	simm.s32 $0xF650  }
0xe5: {  	s29 =	simm.s32 $0x15A50;
	v2 =	vld [tilespmem:s3+$0xC0]  }
0xe6: {  	v3 =	vld [tilespmem:s29+$0xC0]  }
0xe7: {  	v4 =	vld [tilespmem:s3+$0xD0]  }
0xe8: {  	v5 =	vld [tilespmem:s29+$0xD0]  }
0xe9: {  	v6 =	vld [tilespmem:s3+$0xE0]  }
0xea: {  	v7 =	vld [tilespmem:s29+$0xE0]  }
0xeb: {  	v8 =	vld [tilespmem:s3+$0xF0]  }
0xec: {  	v9 =	vld [tilespmem:s29+$0xF0]  }
0xed: {  	v10 =	vld [tilespmem:s3+$0xFFFFFF10]  }
0xee: {  	v11 =	vld [tilespmem:s29+$0xFFFFFF10]  }
0xef: {  	v13 =	vld [tilespmem:s29+$0xFFFFFF30];
	v2 =	vmul.bf16 v3, v2  }
0xf0: {  	v3 =	vld [tilespmem:s3+$0xFFFFFF20];
	v4 =	vmul.bf16 v5, v4;
	v6 =	vmul.bf16 v7, v6  }
0xf1: {  	v5 =	vld [tilespmem:s29+$0xFFFFFF20];
	v7 =	vmul.bf16 v9, v8;
	v12 =	vunpack.i.u.bf16.f32 v2;
	v2 =	vunpack.i.l.bf16.f32 v2  }
0xf2: {  	v8 =	vld [tilespmem:s3+$0xFFFFFF30];
	v9 =	vunpack.i.u.bf16.f32 v4;
	v4 =	vunpack.i.l.bf16.f32 v4;
	v14 =	vunpack.i.u.bf16.f32 v6  }
0xf3: {  	v16 =	vld [tilespmem:s3+$0xFFFFFF40];
	v6 =	vunpack.i.l.bf16.f32 v6;
	v15 =	vunpack.i.u.bf16.f32 v7;
	v7 =	vunpack.i.l.bf16.f32 v7  }
0xf4: {  	v2 =	vadd.f32 v2, v12;
	v4 =	vadd.f32 v4, v9;
	v9 =	vmul.bf16 v11, v10;
	v10 =	vld [tilespmem:s29+$0xFFFFFF40]  }
0xf5: {  	v6 =	vadd.f32 v6, v14;
	v7 =	vadd.f32 v7, v15;
	v12 =	vld [tilespmem:s29+$0xFFFFFF50]  }
0xf6: {  	v3 =	vmul.bf16 v5, v3;
	v5 =	vld [tilespmem:s3+$0xFFFFFF50];
	v11 =	vunpack.i.u.bf16.f32 v9;
	v4 =	vadd.f32 v4, v2  }
0xf7: {  	v6 =	vadd.f32 v7, v6;
	v2 =	vunpack.i.l.bf16.f32 v9;
	v8 =	vmul.bf16 v13, v8;
	v9 =	vld [tilespmem:s3+$0xFFFFFF60]  }
0xf8: {  	v2 =	vadd.f32 v2, v11;
	v11 =	vld [tilespmem:s29+$0xFFFFFF60];
	v7 =	vunpack.i.u.bf16.f32 v3;
	v3 =	vunpack.i.l.bf16.f32 v3  }
0xf9: {  	s0 =	sadd.s32 $0xFFFFFFF8, s26;
	v13 =	vld [tilespmem:s3+$0xFFFFFF70];
	v4 =	vadd.f32 v6, v4;
	v6 =	vunpack.i.u.bf16.f32 v8;
	v8 =	vunpack.i.l.bf16.f32 v8  }
0xfa: {  	s31 =	sadd.s32 $0x19F, s0;
	v10 =	vmul.bf16 v10, v16;
	v3 =	vadd.f32 v3, v7;
	v6 =	vadd.f32 v8, v6;
	v7 =	vld [tilespmem:s29+$0xFFFFFF70]  }
0xfb: {  	v14 =	vmov s31;
	v5 =	vmul.bf16 v12, v5;
	v12 =	vld [tilespmem:s3+$0xFFFFFF80]  }
0xfc: {  	v8 =	vunpack.i.u.bf16.f32 v10;
	v3 =	vadd.f32 v6, v3;
	v6 =	vunpack.i.l.bf16.f32 v10;
	v10 =	vld [tilespmem:s29+$0xFFFFFF80]  }
0xfd: {  	v14 =	vshrl.u32 v14, $0x3;
	v9 =	vmul.bf16 v11, v9;
	v11 =	vld [tilespmem:s3+$0xFFFFFF90]  }
0xfe: {  	v14 =	vshll.u32 v14, v0;
	v6 =	vadd.f32 v6, v8;
	v8 =	vld [tilespmem:s29+$0xFFFFFF90];
	v15 =	vunpack.i.u.bf16.f32 v5  }
0xff: {  	v17 =	vld [tilespmem:s29+$0xFFFFFFA0];
	v16 =	vunpack.i.l.bf16.f32 v5;
	v5 =	vadd.s32 $0x7, v14;
	v14 =	vunpack.i.u.bf16.f32 v9  }
0x100: {  	v7 =	vmul.bf16 v7, v13;
	v13 =	vld [tilespmem:s3+$0xFFFFFFA0];
	v9 =	vunpack.i.l.bf16.f32 v9;
	v15 =	vadd.f32 v16, v15  }
0x101: {  	v9 =	vadd.f32 v9, v14;
	v14 =	vld [tilespmem:s29+$0xFFFFFFB0];
	v10 =	vmul.bf16 v10, v12  }
0x102: {  	v18 =	vunpack.i.u.bf16.f32 v7;
	v7 =	vunpack.i.l.bf16.f32 v7;
	v12 =	vld [tilespmem:s3+$0xFFFFFFB0];
	v6 =	vadd.f32 v15, v6  }
0x103: {  	v15 =	vld [tilespmem:s29+$0xFFFFFFC0];
	v8 =	vmul.bf16 v8, v11;
	v19 =	vunpack.i.u.bf16.f32 v10;
	v10 =	vunpack.i.l.bf16.f32 v10  }
0x104: {  	v5 =	vbroadcast v5, $0x0;
	v7 =	vadd.f32 v7, v18;
	v11 =	vld [tilespmem:s3+$0xFFFFFFC0];
	v10 =	vadd.f32 v10, v19  }
0x105: {  	s15 =	sadd.s32 $0x199, s0;
	v20 =	vunpack.i.u.bf16.f32 v8;
	v8 =	vunpack.i.l.bf16.f32 v8;
	v13 =	vmul.bf16 v17, v13;
	v17 =	vld [tilespmem:s3+$0xFFFFFFD0]  }
0x106: {  	v16 =	vmov s15;
	v7 =	vadd.f32 v7, v9;
	v9 =	vld [tilespmem:s29+$0xFFFFFFD0];
	v8 =	vadd.f32 v8, v20  }
0x107: {  	s16 =	sadd.s32 $0x19A, s0;
	v21 =	vunpack.i.u.bf16.f32 v13;
	v13 =	vunpack.i.l.bf16.f32 v13;
	v12 =	vmul.bf16 v14, v12;
	v14 =	vld [tilespmem:s3+$0xFFFFFFE0]  }
0x108: {  	v18 =	vmov s16;
	v8 =	vadd.f32 v8, v10;
	v10 =	vadd.f32 v13, v21;
	v13 =	vld [tilespmem:s29+$0xFFFFFFE0]  }
0x109: {  	s17 =	sadd.s32 $0x19B, s0;
	v11 =	vmul.bf16 v15, v11;
	v15 =	vld [tilespmem:s3+$0xFFFFFFF0];
	v22 =	vunpack.i.u.bf16.f32 v12;
	v12 =	vunpack.i.l.bf16.f32 v12  }
0x10a: {  	v19 =	vmov s17;
	v6 =	vadd.f32 v7, v6;
	v7 =	vadd.f32 v12, v22;
	v12 =	vld [tilespmem:s29+$0xFFFFFFF0]  }
0x10b: {  	s20 =	sadd.s32 $0x19C, s0;
	v23 =	vunpack.i.u.bf16.f32 v11;
	v11 =	vunpack.i.l.bf16.f32 v11;
	v9 =	vmul.bf16 v9, v17;
	v17 =	vld [tilespmem:s3+$0x0]  }
0x10c: {  	v20 =	vmov s20;
	v7 =	vadd.f32 v7, v10;
	v10 =	vadd.f32 v11, v23;
	v11 =	vld [tilespmem:s29+$0x0]  }
0x10d: {  	v23 =	vunpack.i.u.bf16.f32 v9;
	v9 =	vunpack.i.l.bf16.f32 v9;
	v13 =	vmul.bf16 v13, v14;
	v14 =	vld [tilespmem:s3+$0x10]  }
0x10e: {  	v9 =	vadd.f32 v9, v23;
	v7 =	vadd.f32 v7, v8;
	v8 =	vshrl.u32 v18, $0x3;
	v18 =	vld [tilespmem:s29+$0x10]  }
0x10f: {  	v23 =	vunpack.i.u.bf16.f32 v13;
	v13 =	vunpack.i.l.bf16.f32 v13;
	v12 =	vmul.bf16 v12, v15;
	v15 =	vld [tilespmem:s3+$0x20]  }
0x110: {  	v9 =	vadd.f32 v9, v10;
	v10 =	vadd.f32 v13, v23;
	v13 =	vshrl.u32 v19, $0x3;
	v19 =	vld [tilespmem:s29+$0x20]  }
0x111: {  	v23 =	vunpack.i.u.bf16.f32 v12;
	v12 =	vunpack.i.l.bf16.f32 v12;
	v11 =	vmul.bf16 v11, v17;
	v17 =	vld [tilespmem:s3+$0x30]  }
0x112: {  	v16 =	vshrl.u32 v16, $0x3;
	v20 =	vshrl.u32 v20, $0x3;
	v12 =	vadd.f32 v12, v23;
	v23 =	vld [tilespmem:s29+$0x30]  }
0x113: {  	s21 =	sadd.s32 $0x19D, s0;
	v24 =	vunpack.i.u.bf16.f32 v11;
	v11 =	vunpack.i.l.bf16.f32 v11;
	v14 =	vmul.bf16 v18, v14;
	v18 =	vld [tilespmem:s3+$0x40]  }
0x114: {  	(xrf2) =	vadd.scan.msk.f32 $0xffff, v4;
	v21 =	vmov s21;
	v10 =	vadd.f32 v12, v10;
	v11 =	vadd.f32 v11, v24;
	v12 =	vld [tilespmem:s29+$0x40]  }
0x115: {  	(xrf2) =	vadd.scan.msk.f32 $0xffff, v6;
	v24 =	vunpack.i.u.bf16.f32 v14;
	v14 =	vunpack.i.l.bf16.f32 v14;
	v15 =	vmul.bf16 v19, v15;
	v19 =	vld [tilespmem:s3+$0x50]  }
0x116: {  	(xrf2) =	vadd.scan.msk.f32 $0xffff, v7;
	v7 =	vshll.u32 v13, v0;
	v4 =	vadd.f32 v10, v9;
	v9 =	vadd.f32 v14, v24;
	v14 =	vld [tilespmem:s29+$0x50]  }
0x117: {  	s31 =	sadd.s32 $0x19E, s0;
	v13 =	vld [tilespmem:s29+$0x70];
	v6 =	vunpack.i.u.bf16.f32 v15;
	v10 =	vunpack.i.l.bf16.f32 v15;
	v15 =	vmul.bf16 v23, v17  }
0x118: {  	v21 =	vshrl.u32 v21, $0x3;
	v22 =	vmov s31;
	v17 =	vld [tilespmem:s3+$0x60];
	v23 =	vshll.u32 v16, v0  }
0x119: {  	v9 =	vadd.f32 v9, v11;
	v11 =	vld [tilespmem:s29+$0x60];
	(xrf2) =	vadd.scan.msk.f32 $0xffff, v4;
	v4 =	vunpack.i.u.bf16.f32 v15;
	v15 =	vunpack.i.l.bf16.f32 v15  }
0x11a: {  	v16 =	vld [tilespmem:s3+$0x70];
	v6 =	vadd.f32 v10, v6;
	v12 =	vmul.bf16 v12, v18;
	v4 =	vadd.f32 v15, v4  }
0x11b: {  	v1 =	vld [tilespmem:s29+$0xFFFFFF00];
	v10 =	vshll.u32 v8, v0;
	v8 =	vshll.u32 v20, v0;
	v14 =	vmul.bf16 v14, v19  }
0x11c: {  	v15 =	vunpack.i.u.bf16.f32 v12;
	v12 =	vunpack.i.l.bf16.f32 v12;
	v19 =	vld [tilespmem:s3+$0x80];
	v4 =	vadd.f32 v4, v6  }
0x11d: {  	v6 =	vadd.f32 v12, v15;
	v12 =	vld [tilespmem:s29+$0x80];
	v15 =	vunpack.i.u.bf16.f32 v14;
	v14 =	vunpack.i.l.bf16.f32 v14  }
0x11e: {  	v26 =	vld [tilespmem:s3+$0x90];
	s0 =	sadd.s32 $0x198, s0;
	v11 =	vmul.bf16 v11, v17;
	v20 =	vadd.f32 v4, v9;
	v4 =	vadd.f32 v14, v15  }
0x11f: {  	v27 =	vld [tilespmem:s29+$0x90];
	v25 =	vmov s0;
	v22 =	vshrl.u32 v22, $0x3;
	v13 =	vmul.bf16 v13, v16  }
0x120: {  	v9 =	vshll.u32 v21, v0;
	v15 =	vld [tilespmem:s3+$0xA0];
	v17 =	vunpack.i.u.bf16.f32 v11;
	v11 =	vunpack.i.l.bf16.f32 v11  }
0x121: {  	v21, _, _ =	vpop (xrf2);
	v14 =	vadd.f32 v4, v6;
	v18 =	vadd.f32 v11, v17;
	v17 =	vld [tilespmem:s29+$0xA0];
	v6 =	vunpack.i.u.bf16.f32 v13;
	(xrf2) =	vadd.scan.msk.f32 $0xffff, v20  }
0x122: {  	v16 =	vld [tilespmem:s3+$0xB0];
	v11 =	vshll.u32 v22, v0;
	v22 =	vunpack.i.l.bf16.f32 v13;
	v24 =	vmul.bf16 v12, v19;
	v4, _, _ =	vpop (xrf2)  }
0x123: {  	[tilespmem:v5+s5+$0x0] =	vst.idx.msk vm0, v21;
	v13 =	vadd.s32 $0x1, v23;
	v12 =	vshrl.u32 v25, $0x3;
	v21 =	vadd.f32 v22, v6;
	v19 =	vld [tilespmem:s29+$0xB0];
	v5, _, _ =	vpop (xrf2)  }
0x124: {  	s30 =	simm.s32 $0x0;
	v20 =	vld [tilespmem:s3+$0xFFFFFF00];
	s3 =	simm.s32 $0xF850;
	v22 =	vmul.bf16 v27, v26;
	v23 =	vunpack.i.u.bf16.f32 v24;
	v24 =	vunpack.i.l.bf16.f32 v24;
	v6, _, _ =	vpop (xrf2)  }
.LBB2_6:
0x125: {  	v25 =	vld [tilespmem:s3+$0xC0];
	v10 =	vadd.s32 $0x2, v10;
	v18 =	vadd.f32 v21, v18;
	v21 =	vadd.f32 v24, v23;
	s29 =	sadd.s32 $0x200, s29;
	s0 =	smov.u32 s30  }
0x126: {  	v23 =	vld [tilespmem:s29+$0xC0];
	v24 =	vunpack.i.u.bf16.f32 v22;
	v22 =	vunpack.i.l.bf16.f32 v22;
	v15 =	vmul.bf16 v17, v15  }
0x127: {  	v7 =	vadd.s32 $0x3, v7;
	v17 =	vld [tilespmem:s3+$0xD0];
	v14 =	vadd.f32 v18, v14;
	v18 =	vadd.f32 v22, v24  }
0x128: {  	v22 =	vld [tilespmem:s29+$0xD0];
	v24 =	vunpack.i.u.bf16.f32 v15;
	v15 =	vunpack.i.l.bf16.f32 v15;
	v16 =	vmul.bf16 v19, v16  }
0x129: {  	v19 =	vld [tilespmem:s3+$0xE0];
	v1 =	vmul.bf16 v1, v20;
	v18 =	vadd.f32 v18, v21;
	v15 =	vadd.f32 v15, v24;
	(xrf2) =	vadd.scan.msk.f32 $0xffff, v14  }
0x12a: {  	v8 =	vadd.s32 $0x4, v8;
	v14 =	vld [tilespmem:s29+$0xE0];
	v26 =	vunpack.i.u.bf16.f32 v16;
	v16 =	vunpack.i.l.bf16.f32 v16  }
0x12b: {  	v21 =	vld [tilespmem:s3+$0xF0];
	v24 =	vunpack.i.u.bf16.f32 v1;
	v1 =	vunpack.i.l.bf16.f32 v1;
	v16 =	vadd.f32 v16, v26;
	v20, _, _ =	vpop (xrf2)  }
0x12c: {  	v9 =	vadd.s32 $0x5, v9;
	v11 =	vadd.s32 $0x6, v11;
	v26 =	vld [tilespmem:s29+$0xF0];
	v24 =	vadd.f32 v1, v24  }
0x12d: {  	s30 =	sadd.s32 $0x8, s30;
	v12 =	vshll.u32 v12, v0;
	v13 =	vbroadcast v13, $0x0;
	v1 =	vld [tilespmem:s29+$0xFFFFFF00];
	v15 =	vadd.f32 v16, v15  }
0x12e: {  	p0 =	slt.u32 s30, $0x188;
	v10 =	vbroadcast v10, $0x0;
	v7 =	vbroadcast v7, $0x0;
	v16 =	vld [tilespmem:s3+$0xFFFFFF10];
	v2 =	vadd.f32 v2, v24  }
0x12f: {  	v8 =	vbroadcast v8, $0x0;
	v23 =	vmul.bf16 v23, v25;
	v24 =	vld [tilespmem:s29+$0xFFFFFF10];
	v15 =	vadd.f32 v15, v18  }
0x130: {  	v17 =	vmul.bf16 v22, v17;
	v18 =	vld [tilespmem:s3+$0xFFFFFF20];
	v2 =	vadd.f32 v3, v2;
	v3 =	vbroadcast v9, $0x0  }
0x131: {  	v22 =	vunpack.i.u.bf16.f32 v23;
	v14 =	vmul.bf16 v14, v19;
	v9 =	vld [tilespmem:s29+$0xFFFFFF20];
	v19 =	vmul.bf16 v26, v21  }
0x132: {  	v23 =	vunpack.i.l.bf16.f32 v23;
	v25 =	vunpack.i.u.bf16.f32 v17;
	v17 =	vunpack.i.l.bf16.f32 v17;
	v21 =	vld [tilespmem:s3+$0xFFFFFF30];
	(xrf2) =	vadd.scan.msk.f32 $0xffff, v2  }
0x133: {  	v26 =	vunpack.i.u.bf16.f32 v14;
	v14 =	vunpack.i.l.bf16.f32 v14;
	v2 =	vld [tilespmem:s29+$0xFFFFFF30];
	v27 =	vunpack.i.u.bf16.f32 v19;
	[tilespmem:v13+s5+$0x0] =	vst.idx.msk vm0, v4;
	v4, _, _ =	vpop (xrf2)  }
0x134: {  	v22 =	vadd.f32 v23, v22;
	v17 =	vadd.f32 v17, v25;
	v19 =	vunpack.i.l.bf16.f32 v19;
	v13 =	vld [tilespmem:s3+$0xFFFFFF40];
	[tilespmem:v10+s5+$0x0] =	vst.idx.msk vm0, v5  }
0x135: {  	v14 =	vadd.f32 v14, v26;
	v5 =	vmul.bf16 v24, v16;
	v16 =	vadd.f32 v19, v27;
	v10 =	vld [tilespmem:s29+$0xFFFFFF40];
	(xrf2) =	vadd.scan.msk.f32 $0xffff, v15  }
0x136: {  	v9 =	vmul.bf16 v9, v18;
	v15 =	vld [tilespmem:s3+$0xFFFFFF50];
	[tilespmem:v7+s5+$0x0] =	vst.idx.msk vm0, v6;
	v6 =	vbroadcast v11, $0x0  }
0x137: {  	v17 =	vadd.f32 v17, v22;
	v7 =	vunpack.i.u.bf16.f32 v5;
	v14 =	vadd.f32 v16, v14;
	v11 =	vld [tilespmem:s29+$0xFFFFFF50];
	[tilespmem:v8+s5+$0x0] =	vst.idx.msk vm0, v20  }
0x138: {  	v5 =	vunpack.i.l.bf16.f32 v5;
	v8 =	vunpack.i.u.bf16.f32 v9;
	v16 =	vmul.bf16 v2, v21;
	v18 =	vld [tilespmem:s3+$0xFFFFFF60];
	[tilespmem:v3+s5+$0x0] =	vst.idx.msk vm0, v4  }
0x139: {  	v3 =	vunpack.i.l.bf16.f32 v9;
	v2 =	vadd.f32 v5, v7;
	v5 =	vadd.f32 v14, v17;
	v4 =	vld [tilespmem:s29+$0xFFFFFF60]  }
0x13a: {  	s14 =	sadd.s32 s0, s26;
	v7 =	vunpack.i.u.bf16.f32 v16;
	v9 =	vunpack.i.l.bf16.f32 v16;
	v10 =	vmul.bf16 v10, v13;
	v13 =	vld [tilespmem:s3+$0xFFFFFF70]  }
0x13b: {  	s15 =	sadd.s32 $0x199, s14;
	s21 =	sadd.s32 $0x19A, s14;
	s0 =	sadd.s32 $0x19F, s14;
	v3 =	vadd.f32 v3, v8;
	v7 =	vadd.f32 v9, v7;
	v8 =	vld [tilespmem:s29+$0xFFFFFF70];
	(xrf2) =	vadd.scan.msk.f32 $0xffff, v5;
	v5 =	vbroadcast v12, $0x0  }
0x13c: {  	s31 =	sadd.s32 $0x19B, s14;
	s20 =	sadd.s32 $0x19C, s14;
	s17 =	sadd.s32 $0x19D, s14;
	v14 =	vmov s0;
	v9 =	vunpack.i.u.bf16.f32 v10;
	v11 =	vmul.bf16 v11, v15;
	v12 =	vld [tilespmem:s3+$0xFFFFFF80];
	v15, _, _ =	vpop (xrf2)  }
0x13d: {  	s16 =	sadd.s32 $0x19E, s14;
	s0 =	sadd.s32 $0x198, s14;
	v14 =	vshrl.u32 v14, $0x3;
	v3 =	vadd.f32 v7, v3;
	v7 =	vunpack.i.l.bf16.f32 v10;
	v10 =	vld [tilespmem:s29+$0xFFFFFF80]  }
0x13e: {  	v14 =	vshll.u32 v14, v0;
	v16 =	vunpack.i.u.bf16.f32 v11;
	v4 =	vmul.bf16 v4, v18;
	v17 =	vld [tilespmem:s3+$0xFFFFFF90]  }
0x13f: {  	v14 =	vadd.s32 $0x7, v14;
	v11 =	vunpack.i.l.bf16.f32 v11;
	v7 =	vadd.f32 v7, v9;
	v9 =	vld [tilespmem:s29+$0xFFFFFF90];
	v18, _, _ =	vpop (xrf2)  }
0x140: {  	v14 =	vbroadcast v14, $0x0;
	v19 =	vunpack.i.u.bf16.f32 v4;
	v8 =	vmul.bf16 v8, v13;
	v13 =	vld [tilespmem:s3+$0xFFFFFFA0];
	[tilespmem:v6+s5+$0x0] =	vst.idx.msk vm0, v18  }
0x141: {  	v4 =	vunpack.i.l.bf16.f32 v4;
	v6 =	vadd.f32 v11, v16;
	v11 =	vmov s15;
	v16 =	vld [tilespmem:s29+$0xFFFFFFA0];
	[tilespmem:v5+s5+$0x0] =	vst.idx.msk vm0, v15  }
0x142: {  	v5 =	vunpack.i.u.bf16.f32 v8;
	v8 =	vunpack.i.l.bf16.f32 v8;
	v10 =	vmul.bf16 v10, v12;
	v12 =	vld [tilespmem:s3+$0xFFFFFFB0]  }
0x143: {  	v4 =	vadd.f32 v4, v19;
	v15 =	vmov s21;
	v5 =	vadd.f32 v8, v5;
	v8 =	vld [tilespmem:s29+$0xFFFFFFB0]  }
0x144: {  	v18 =	vunpack.i.u.bf16.f32 v10;
	v10 =	vunpack.i.l.bf16.f32 v10;
	v9 =	vmul.bf16 v9, v17;
	v17 =	vld [tilespmem:s3+$0xFFFFFFC0]  }
0x145: {  	v6 =	vadd.f32 v6, v7;
	v7 =	vadd.f32 v10, v18;
	v10 =	vld [tilespmem:s29+$0xFFFFFFC0];
	v18 =	vmov s31;
	v19, _, _ =	vpop (xrf2)  }
0x146: {  	v20 =	vunpack.i.u.bf16.f32 v9;
	v9 =	vunpack.i.l.bf16.f32 v9;
	v13 =	vmul.bf16 v16, v13;
	v16 =	vld [tilespmem:s3+$0xFFFFFFD0];
	[tilespmem:v14+s5+$0x0] =	vst.idx.msk vm0, v19  }
0x147: {  	v4 =	vadd.f32 v5, v4;
	v14 =	vmov s20;
	v5 =	vadd.f32 v9, v20;
	v9 =	vld [tilespmem:s29+$0xFFFFFFD0]  }
0x148: {  	v19 =	vunpack.i.u.bf16.f32 v13;
	v13 =	vunpack.i.l.bf16.f32 v13;
	v8 =	vmul.bf16 v8, v12;
	v12 =	vld [tilespmem:s3+$0xFFFFFFE0]  }
0x149: {  	v5 =	vadd.f32 v5, v7;
	v7 =	vadd.f32 v13, v19;
	v13 =	vld [tilespmem:s29+$0xFFFFFFE0];
	v19 =	vmov s17  }
0x14a: {  	v20 =	vunpack.i.u.bf16.f32 v8;
	v8 =	vunpack.i.l.bf16.f32 v8;
	v10 =	vmul.bf16 v10, v17;
	v17 =	vld [tilespmem:s3+$0xFFFFFFF0]  }
0x14b: {  	v4 =	vadd.f32 v4, v6;
	v6 =	vadd.f32 v8, v20;
	v8 =	vld [tilespmem:s29+$0xFFFFFFF0];
	v20 =	vmov s16  }
0x14c: {  	v21 =	vunpack.i.u.bf16.f32 v10;
	v10 =	vunpack.i.l.bf16.f32 v10;
	v9 =	vmul.bf16 v9, v16;
	v16 =	vld [tilespmem:s3+$0x0]  }
0x14d: {  	v11 =	vshrl.u32 v11, $0x3;
	v6 =	vadd.f32 v6, v7;
	v7 =	vadd.f32 v10, v21;
	v10 =	vld [tilespmem:s29+$0x0];
	(xrf2) =	vadd.scan.msk.f32 $0xffff, v4  }
0x14e: {  	v4 =	vunpack.i.u.bf16.f32 v9;
	v9 =	vunpack.i.l.bf16.f32 v9;
	v12 =	vmul.bf16 v13, v12;
	v13 =	vld [tilespmem:s3+$0x10]  }
0x14f: {  	v5 =	vadd.f32 v6, v5;
	v6 =	vshrl.u32 v15, $0x3;
	v4 =	vadd.f32 v9, v4;
	v9 =	vld [tilespmem:s29+$0x10]  }
0x150: {  	v15 =	vunpack.i.u.bf16.f32 v12;
	v12 =	vunpack.i.l.bf16.f32 v12;
	v8 =	vmul.bf16 v8, v17;
	v17 =	vld [tilespmem:s3+$0x20]  }
0x151: {  	v4 =	vadd.f32 v4, v7;
	v7 =	vadd.f32 v12, v15;
	v12 =	vshrl.u32 v18, $0x3;
	v15 =	vld [tilespmem:s29+$0x20];
	(xrf2) =	vadd.scan.msk.f32 $0xffff, v5  }
0x152: {  	v5 =	vunpack.i.u.bf16.f32 v8;
	v8 =	vunpack.i.l.bf16.f32 v8;
	v10 =	vmul.bf16 v10, v16;
	v16 =	vld [tilespmem:s3+$0x30]  }
0x153: {  	v14 =	vshrl.u32 v14, $0x3;
	v18 =	vshrl.u32 v19, $0x3;
	v5 =	vadd.f32 v8, v5;
	v8 =	vld [tilespmem:s29+$0x30]  }
0x154: {  	v19 =	vunpack.i.u.bf16.f32 v10;
	v10 =	vunpack.i.l.bf16.f32 v10;
	v9 =	vmul.bf16 v9, v13;
	v13 =	vld [tilespmem:s3+$0x40]  }
0x155: {  	v5 =	vadd.f32 v5, v7;
	v7 =	vadd.f32 v10, v19;
	v10 =	vld [tilespmem:s29+$0x40];
	v19 =	vshrl.u32 v20, $0x3  }
0x156: {  	v20 =	vunpack.i.u.bf16.f32 v9;
	v9 =	vunpack.i.l.bf16.f32 v9;
	v15 =	vmul.bf16 v15, v17;
	v17 =	vld [tilespmem:s3+$0x50]  }
0x157: {  	v21 =	vmov s0;
	v5 =	vadd.f32 v5, v4;
	v9 =	vadd.f32 v9, v20;
	v20 =	vld [tilespmem:s29+$0x50];
	v4, _, _ =	vpop (xrf2)  }
0x158: {  	v22 =	vunpack.i.u.bf16.f32 v15;
	v15 =	vunpack.i.l.bf16.f32 v15;
	v8 =	vmul.bf16 v8, v16;
	v16 =	vld [tilespmem:s3+$0x60]  }
0x159: {  	v23 =	vshll.u32 v11, v0;
	v9 =	vadd.f32 v9, v7;
	v11 =	vadd.f32 v15, v22;
	v15 =	vld [tilespmem:s29+$0x60];
	(xrf2) =	vadd.scan.msk.f32 $0xffff, v5  }
0x15a: {  	v24 =	vunpack.i.u.bf16.f32 v8;
	v8 =	vunpack.i.l.bf16.f32 v8;
	v13 =	vmul.bf16 v10, v13;
	v22 =	vld [tilespmem:s3+$0x70]  }
0x15b: {  	v7 =	vshll.u32 v12, v0;
	v10 =	vshll.u32 v6, v0;
	v6 =	vadd.f32 v8, v24;
	v12 =	vld [tilespmem:s29+$0x70];
	v5, _, _ =	vpop (xrf2)  }
0x15c: {  	v24 =	vunpack.i.u.bf16.f32 v13;
	v13 =	vunpack.i.l.bf16.f32 v13;
	v17 =	vmul.bf16 v20, v17;
	v20 =	vld [tilespmem:s3+$0x80]  }
0x15d: {  	v8 =	vshll.u32 v14, v0;
	v6 =	vadd.f32 v6, v11;
	v11 =	vadd.f32 v13, v24;
	v13 =	vld [tilespmem:s29+$0x80]  }
0x15e: {  	v14 =	vunpack.i.u.bf16.f32 v17;
	v17 =	vunpack.i.l.bf16.f32 v17;
	v15 =	vmul.bf16 v15, v16;
	v25 =	vld [tilespmem:s3+$0x90]  }
0x15f: {  	v6 =	vadd.f32 v6, v9;
	v14 =	vadd.f32 v17, v14;
	v9 =	vshll.u32 v18, v0;
	v26 =	vld [tilespmem:s29+$0x90]  }
.Ltmp4:
0x160: {  	v16 =	vunpack.i.u.bf16.f32 v15;
	v17 =	vunpack.i.l.bf16.f32 v15;
	v12 =	vmul.bf16 v12, v22;
	v15 =	vld [tilespmem:s3+$0xA0];
	(pc) =	sbr.rel @p0 .LBB2_6-.Ltmp4, $4  }
0x161: {  	v14 =	vadd.f32 v14, v11;
	v18 =	vadd.f32 v17, v16;
	v17 =	vld [tilespmem:s29+$0xA0];
	v11 =	vshll.u32 v19, v0;
	(xrf2) =	vadd.scan.msk.f32 $0xffff, v6  }
0x162: {  	v24 =	vunpack.i.u.bf16.f32 v12;
	v19 =	vunpack.i.l.bf16.f32 v12;
	v22 =	vmul.bf16 v13, v20;
	v16 =	vld [tilespmem:s3+$0xB0]  }
0x163: {  	v12 =	vshrl.u32 v21, $0x3;
	v13 =	vadd.s32 $0x1, v23;
	v21 =	vadd.f32 v19, v24;
	v19 =	vld [tilespmem:s29+$0xB0];
	v6, _, _ =	vpop (xrf2)  }
0x164: {  	v20 =	vld [tilespmem:s3+$0xFFFFFF00];
	v23 =	vunpack.i.u.bf16.f32 v22;
	v24 =	vunpack.i.l.bf16.f32 v22;
	v22 =	vmul.bf16 v26, v25;
	s3 =	sadd.s32 $0x200, s3  }
0x165: {  	_ =	sdelay $0x2  }
0x166: {  	v18 =	vadd.f32 v21, v18;
	v53 =	vadd.f32 v24, v23;
	v15 =	vmul.bf16 v17, v15  }
0x167: {  	v54 =	vunpack.i.u.bf16.f32 v22;
	v55 =	vunpack.i.l.bf16.f32 v22;
	v1 =	vmul.bf16 v1, v20  }
0x168: {  	v17 =	vadd.f32 v55, v54;
	v56 =	vunpack.i.u.bf16.f32 v15;
	v16 =	vmul.bf16 v19, v16  }
0x169: {  	v15 =	vunpack.i.l.bf16.f32 v15;
	v57 =	vunpack.i.u.bf16.f32 v1;
	v1 =	vunpack.i.l.bf16.f32 v1  }
0x16a: {  	v58 =	vunpack.i.u.bf16.f32 v16;
	v16 =	vunpack.i.l.bf16.f32 v16;
	v1 =	vadd.f32 v1, v57  }
0x16b: {  	v15 =	vadd.f32 v15, v56;
	v16 =	vadd.f32 v16, v58  }
0x16c: {  	v14 =	vadd.f32 v18, v14;
	v1 =	vadd.f32 v2, v1  }
0x16d: {  	v15 =	vadd.f32 v16, v15;
	v2 =	vadd.f32 v17, v53  }
0x16e: {  	v1 =	vadd.f32 v3, v1  }
0x16f: {  	(xrf2) =	vadd.scan.msk.f32 $0xffff, v14;
	v2 =	vadd.f32 v15, v2;
	v3 =	vbroadcast v13, $0x0  }
0x170: {  	(xrf2) =	vadd.scan.msk.f32 $0xffff, v1;
	v1 =	vadd.s32 $0x2, v10  }
0x171: {  	v59 =	vadd.s32 $0x4, v8;
	(xrf2) =	vadd.scan.msk.f32 $0xffff, v2;
	v1 =	vbroadcast v1, $0x0  }
0x172: {  	v2 =	vadd.s32 $0x3, v7;
	v7 =	vbroadcast v59, $0x0  }
0x173: {  	v60 =	vadd.s32 $0x5, v9;
	v2 =	vbroadcast v2, $0x0  }
0x174: {  	v62 =	vshll.u32 v12, v0;
	v8 =	vbroadcast v60, $0x0  }
0x175: {  	v61 =	vadd.s32 $0x6, v11;
	[tilespmem:v3+s5+$0x0] =	vst.idx.msk vm0, v4;
	v3 =	vbroadcast v62, $0x0  }
0x176: {  	v9 =	vbroadcast v61, $0x0  }
0x177: {  	v63, _, _ =	vpop (xrf2);
	[tilespmem:v1+s5+$0x0] =	vst.idx.msk vm0, v5  }
.Ltmp5:
0x178: {  	[tilespmem:v7+s5+$0x0] =	vst.idx.msk vm0, v63;
	(pc) =	sbr.rel .LBB2_8-.Ltmp5, $4  }
0x179: {  	v1, _, _ =	vpop (xrf2);
	[tilespmem:v2+s5+$0x0] =	vst.idx.msk vm0, v6  }
0x17a: {  	[tilespmem:v8+s5+$0x0] =	vst.idx.msk vm0, v1;
	v2, _, _ =	vpop (xrf2)  }
0x17b: {  	v1, _, _ =	vpop (xrf2);
	[tilespmem:v3+s5+$0x0] =	vst.idx.msk vm0, v2  }
0x17c: {  	[tilespmem:v9+s5+$0x0] =	vst.idx.msk vm0, v1  }
.LBB2_9:
0x17d: {  	s0 =	simm.s32 $0x0;
	s3 =	simm.s32 $0x40  }
.LBB2_10:
0x17e: {  	p0 =	sne.s32 s3, $0x9C00;
	v1 =	vld [tilespmem:s0+$0x0];
	_ =	sdelay $0x4  }
0x17f: {  	v1 =	vsub.f32 $0.0e+00, v1;
	_ =	sdelay $0x1  }
0x180: {  	v1 =	vmul.f32 $1.442695020e+00, v1;
	_ =	sdelay $0x1  }
0x181: {  	(erf) = vpow2.f32 v1;
	_ =	sdelay $0x8  }
0x182: {  	v1 =	vpop (erf)  }
0x183: {  	v1 =	vadd.f32 $1.000000000e+00, v1;
	_ =	sdelay $0x1  }
0x184: {  	(erf) = vrcp.f32 v1;
	_ =	sdelay $0x5  }
.Ltmp6:
0x185: {  	(pc) =	sbr.rel @p0 .LBB2_10-.Ltmp6, $3  }
0x186: {  	_ =	sdelay $0x1  }
0x187: {  	v1 =	vpop (erf)  }
0x188: {  	[tilespmem:s0+$0x0] =	vst v1;
	s0 =	sshra.s32 s3, $0x2;
	s3 =	sadd.s32 $0x40, s3  }
0x189: {  	v1 =	vld [tilespmem:s0+$0x0];
	_ =	sdelay $0x4  }
0x18a: {  	v1 =	vsub.f32 $0.0e+00, v1;
	_ =	sdelay $0x1  }
0x18b: {  	v1 =	vmul.f32 $1.442695020e+00, v1;
	_ =	sdelay $0x1  }
0x18c: {  	(erf) = vpow2.f32 v1;
	_ =	sdelay $0x8  }
0x18d: {  	v1 =	vpop (erf)  }
0x18e: {  	v1 =	vadd.f32 $1.000000000e+00, v1;
	_ =	sdelay $0x1  }
0x18f: {  	(erf) = vrcp.f32 v1;
	_ =	sdelay $0x7  }
0x190: {  	s25 =	sadd.s32 $0x1, s25  }
0x191: {  	p0 =	sne.s32 s25, s13;
	v1 =	vpop (erf)  }
.Ltmp7:
0x192: {  	[tilespmem:s0+$0x0] =	vst v1;
	(pc) =	sbr.rel @p0 .LBB2_1-.Ltmp7, $4  }
0x193: {  	[hbm4b:s12+s5] =	stream.linear.scatter [tilespmem:s5], [sflag:$0x5], $0x2710, $0x38;
	[tilespmem:$0x1BD50] =	vst v63  }
0x194: {  	_ =	swait.ge [sflag:s24], $0x2710  }
0x195: {  	[sflag:s24] =	ssyncset.done $0x0  }
0x196: {  	[sflag:s24] =	ssyncadd.s32 $0xFFFFD8F0  }
0x197: {  	_ =	sfence.sel $0x180000  }
0x198: {  	[bflag:$0x0] =	sbarrier.arrive $0xFFFF  }
0x199: {  	_ =	strace $0x90000047  }
0x19a: {  	s0 =	stileid.u32;
	[bflag:$0x2] =	sbarrier.arrive $0xFFFF  }
0x19b: {  	p0 =	sne.s32 s0, $0x0;
	s0 =	rddreg [dreg:$0x4]  }
0x19c: {  	s0 =	sadd.s32 @!p0 $0x100000, s0  }
0x19d: {  	[sflag:s0] =	ssyncadd.tile.s32 @!p0 $0x1;
	_ =	shalt  }
.Lfunc_end2:
_tile_overlayer_lowered:
.L_overlay_start_2:
0x19e: {  	(tag) =	ssettag $0x2  }
0x19f: {  	s0 =	rddreg [dreg:$0x0];
	s2 =	stileid.u32  }
0x1a0: {  	s1 =	rddreg [dreg:$0x1];
	p0 =	sne.s32 s2, $0x0  }
0x1a1: {  	s3 =	rddreg [dreg:$0x2];
	[bflag:$0x3] =	sbarrier.arrive $0xFFFF;
	s2 =	simm.s32 @!p0 $0x1C05  }
0x1a2: {  	[timem:s3], [sflag:s2] =	dma.local @!p0 [hbm:s0], s1  }
0x1a3: {  	s0 =	simm.s32 @!p0 $0x5  }
0x1a4: {  	_ =	swait.ge @!p0 [sflag:s0], s1  }
0x1a5: {  	s1 =	ssub.s32 @!p0 $0x0, s1;
	[sflag:s0] =	ssyncset.done @!p0 $0x0  }
0x1a6: {  	[sflag:s0] =	ssyncadd.s32 @!p0 s1  }
0x1a7: {  	[bflag:$0x3] =	sbarrier.arrive $0xFFFF  }
0x1a8: {  	_ =	shalt  }

</sc_bundles>
